<compile_context>
chip_gen: v7x
topology: tpu7x:2x2x1
jax: 0.10.2.dev20260603
libtpu: 0.0.44.dev20260713+nightly
codegen_flags: <defaults>
</compile_context>

<pallas_src>
import jax
import jax.numpy as jnp
from jax import lax
from jax.experimental import pallas as pl
from jax.experimental.pallas import tpu as pltpu
from jax.experimental.pallas import tpu_sc as plsc

_K = 10


_B = 4


def _rerank_body(pre_smem, pre_row_ref, scores_row_ref, ids_row_ref, x_ref,
                 out_ref):
    M = x_ref.shape[1]

    iota_r = jax.lax.broadcasted_iota(jnp.int32, (M, M), 1)
    iota_c = jax.lax.broadcasted_iota(jnp.int32, (M, M), 0)
    eid = iota_r == iota_c
    tie = iota_r < iota_c

    def t_row_to_col(row, zero):
        return jnp.sum(jnp.where(eid, row, zero), axis=1, keepdims=True)

    for b in range(_B):
        x = x_ref[b]

        X1 = x_ref[b, pl.ds(pre_smem[b, 0, 0], 1), :]
        for k in range(1, _K):
            X1 = jnp.maximum(X1, x_ref[b, pl.ds(pre_smem[b, 0, k], 1), :])

        xr = x.astype(jnp.bfloat16).astype(jnp.float32)
        X1r = X1.astype(jnp.bfloat16).astype(jnp.float32)
        s_col = jnp.sum(xr * X1r, axis=1, keepdims=True)

        v_row = scores_row_ref[b]
        ids_row = ids_row_ref[b]
        pre_row = pre_row_ref[b]

        v_col = t_row_to_col(v_row, 0.0)

        cnt1 = (v_row > v_col) | ((v_row == v_col) & tie)
        rank1_col = jnp.sum(cnt1.astype(jnp.int32), axis=1, keepdims=True)

        sorted_v_row = jnp.sum(jnp.where(rank1_col == iota_r, v_col, 0.0),
                               axis=0, keepdims=True)

        s_g_row = jnp.sum(jnp.where(iota_c == pre_row, s_col, 0.0),
                          axis=0, keepdims=True)

        r_row = (sorted_v_row + s_g_row) * 0.5
        r_col = t_row_to_col(r_row, 0.0)

        cnt2 = (r_row > r_col) | ((r_row == r_col) & tie)
        rank2_col = jnp.sum(cnt2.astype(jnp.int32), axis=1, keepdims=True)

        ids_col = t_row_to_col(ids_row, 0)
        out_row = jnp.sum(jnp.where(rank2_col == iota_r, ids_col, 0),
                          axis=0, keepdims=True)
        out_ref[b] = out_row


def _make_sc_copy(N, Q, M):
    info = plsc.get_sparse_core_info()
    nw = info.num_cores * info.num_subcores
    rows = N - M
    per_w = ((rows + nw - 1) // nw + 7) // 8 * 8
    last_w = rows - (nw - 1) * per_w
    assert last_w > 0 and last_w % 8 == 0 and M % 8 == 0
    half, last_half = per_w // 2, last_w // 2
    mesh = plsc.VectorSubcoreMesh(core_axis_name="c", subcore_axis_name="s")

    def body(ranks_hbm, out_hbm, buf):
        wid = lax.axis_index("s") * info.num_cores + lax.axis_index("c")
        base = M + wid * per_w

        @pl.when(wid < nw - 1)
        def _():
            for c in range(2):
                start = base + c * half
                pltpu.sync_copy(ranks_hbm.at[pl.ds(start, half), :], buf)
                pltpu.sync_copy(buf, out_hbm.at[pl.ds(start, half), :])

        @pl.when(wid == nw - 1)
        def _():
            for c in range(2):
                start = base + c * last_half
                pltpu.sync_copy(ranks_hbm.at[pl.ds(start, last_half), :],
                                buf.at[pl.ds(0, last_half), :])
                pltpu.sync_copy(buf.at[pl.ds(0, last_half), :],
                                out_hbm.at[pl.ds(start, last_half), :])

    return pl.kernel(
        body,
        out_type=jax.ShapeDtypeStruct((N, Q), jnp.int32),
        mesh=mesh,
        scratch_types=[pltpu.VMEM((half, Q), jnp.int32)],
    )


def _assemble_body(head_ref, full_ref, out_ref):
    out_ref[...] = head_ref[...].T


def kernel(ranks, rerank_dba_final, res_top1000_dba, ranks_trans_1000_pre,
           x_dba):
    Q, M = ranks_trans_1000_pre.shape
    N = ranks.shape[0]
    D = x_dba.shape[2]
    pre3 = ranks_trans_1000_pre.reshape(Q, 1, M)
    scores3 = res_top1000_dba.reshape(Q, 1, M)
    ids3 = rerank_dba_final.reshape(Q, 1, M)
    tail = _make_sc_copy(N, Q, M)(ranks)
    out3 = pl.pallas_call(
        _rerank_body,
        grid=(Q // _B,),
        in_specs=[
            pl.BlockSpec((_B, 1, M), lambda q: (q, 0, 0),
                         memory_space=pltpu.SMEM),
            pl.BlockSpec((_B, 1, M), lambda q: (q, 0, 0)),
            pl.BlockSpec((_B, 1, M), lambda q: (q, 0, 0)),
            pl.BlockSpec((_B, 1, M), lambda q: (q, 0, 0)),
            pl.BlockSpec((_B, M, D), lambda q: (q, 0, 0)),
        ],
        out_specs=pl.BlockSpec((_B, 1, M), lambda q: (q, 0, 0)),
        out_shape=jax.ShapeDtypeStruct((Q, 1, M), jnp.int32),
    )(pre3, pre3, scores3, ids3, x_dba)

    return pl.pallas_call(
        _assemble_body,
        grid=(1,),
        in_specs=[
            pl.BlockSpec((Q, M), lambda i: (0, 0)),
            pl.BlockSpec(memory_space=pl.ANY),
        ],
        out_specs=pl.BlockSpec((M, Q), lambda i: (0, 0)),
        out_shape=jax.ShapeDtypeStruct((N, Q), jnp.int32),
        input_output_aliases={1: 0},
    )(out3.reshape(Q, M), tail)

# --- scband reference (transcript-rebuilt; emitter-appended) ---
"""Pipeline reference for scband-rerankw-mda-3212635537552 (READ-ONLY COPY).

The authoritative reference and input builder live on the scoring server;
editing this copy changes nothing except your own understanding.
"""

import jax, jax.numpy as jnp
import numpy as np

M = 400
K = 10  # torch module stores K = K_init + 1 = 9 + 1
BETA = 0.15


def setup_inputs(seed: int = 0):
    key = jax.random.key(seed)
    k1, k2, k3, k4, k5 = jax.random.split(key, 5)
    Q, D, N = 128, 2048, 50000
    ranks = jax.random.randint(k1, (N, Q), 0, N, dtype=jnp.int32)
    rerank_dba_final = jax.random.randint(k2, (Q, M), 0, N, dtype=jnp.int32)
    res_top1000_dba = jax.random.normal(k3, (Q, M), dtype=jnp.float32)
    ranks_trans_1000_pre = jax.random.randint(k4, (Q, M), 0, M, dtype=jnp.int32)
    x_dba = jax.random.normal(k5, (Q, M, D), dtype=jnp.float32)
    return {
        "ranks": ranks,
        "rerank_dba_final": rerank_dba_final,
        "res_top1000_dba": res_top1000_dba,
        "ranks_trans_1000_pre": ranks_trans_1000_pre,
        "x_dba": x_dba,
    }


def reference(ranks, rerank_dba_final, res_top1000_dba, ranks_trans_1000_pre, x_dba):
    # torch.stack(list_of_rows) == the stacked [Q, M] tensor itself
    ranks_trans_1000 = rerank_dba_final  # [Q, M] db ids of top-M candidates
    # descending sort of candidate similarity scores
    ranks_value_trans_1000 = -jnp.sort(-res_top1000_dba, axis=-1)  # [Q, M]
    ranks_trans = ranks_trans_1000_pre[:, :K][..., None]  # [Q, K, 1]
    # computed (and scaled by beta) in the torch code, but unused downstream
    ranks_value_trans = ranks_value_trans_1000[:, :K][..., None] * BETA
    # gather top-K candidate descriptors, MDA: elementwise max over K
    X1 = jnp.take_along_axis(x_dba, ranks_trans, axis=1)  # [Q, K, D]
    X2 = jnp.take_along_axis(x_dba, ranks_trans_1000_pre[..., None], axis=1)  # [Q, M, D]
    X1 = jnp.max(X1, axis=1, keepdims=True)  # [Q, 1, D]
    # batched rank-1 bmm: X1 @ X2^T, squeezed -> [Q, M]
    res_rerank = jnp.einsum('qkd,qmd->qm', X1, X2)
    res_rerank = (ranks_value_trans_1000 + res_rerank) / 2.0
    res_rerank_ranks = jnp.argsort(-res_rerank, axis=-1)  # [Q, M]
    reranked_ids = jnp.take_along_axis(ranks_trans_1000, res_rerank_ranks, axis=1)  # [Q, M]
    ranks_transpose = ranks.T[:, M:]  # [Q, N - M]
    out = jnp.concatenate([reranked_ids, ranks_transpose], axis=1)  # [Q, N]
    return out.T  # [N, Q]

if __name__ == "__main__":
    import jax
    _d = setup_inputs()
    print(jax.jit(kernel)(*tuple(_d.values())))

</pallas_src>

<mosaic_0001>
#map = affine_map<(d0, d1) -> (0, 0)>
module attributes {stable_mosaic.version = 14 : i64} {
  func.func @body(%arg0: i32, %arg1: i32, %arg2: memref<50000x128xi32, #tpu.memory_space<hbm>>, %arg3: memref<50000x128xi32, #tpu.memory_space<hbm>>, %arg4: memref<776x128xi32, #tpu.memory_space<vmem>>) attributes {dimension_semantics = [#tpu.dimension_semantics<core_parallel>, #tpu.dimension_semantics<subcore_parallel>], iteration_bounds = array<i64: 2, 16>, scalar_prefetch = 0 : i64, scratch_operands = 1 : i64, tpu.core_type = #tpu.core_type<sc_vector_subcore>, window_params = [{transform_indices = #map}, {transform_indices = #map}]} {
    %mul3A = arith.constant 2 : i32
    %mul3A_0 = arith.muli %arg1, %mul3A : i32
    %add3A = arith.addi %mul3A_0, %arg0 : i32
    %mul3A_1 = arith.constant 1552 : i32
    %mul3A_2 = arith.muli %add3A, %mul3A_1 : i32
    %add3A_3 = arith.constant 400 : i32
    %add3A_4 = arith.addi %add3A_3, %mul3A_2 : i32
    %lt3A = arith.constant 31 : i32
    %lt3A_5 = arith.cmpi slt, %add3A, %lt3A : i32
    %convert_element_type3A = arith.extui %lt3A_5 : i1 to i32
    %cond3A = arith.constant 0 : i32
    %cond3A_6 = arith.cmpi ne, %convert_element_type3A, %cond3A : i32
    scf.if %cond3A_6 {
      %add3A_11 = arith.constant 0 : i32
      %add3A_12 = arith.addi %add3A_4, %add3A_11 : i32
      "tpu.region"() ({
        %run_scoped3A = tpu.sem_alloc : memref<!tpu.dma_semaphore, #tpu.memory_space<semaphore_mem>>
        %dma_start3A = arith.constant 0 : i32
        %dma_start3A_15 = tpu.memref_slice %arg2[%add3A_12, %dma_start3A] : memref<50000x128xi32, #tpu.memory_space<hbm>> -> memref<776x128xi32, #tpu.memory_space<hbm>>
        %dma_start3A_16 = arith.constant 0 : i32
        %dma_start3A_17 = tpu.memref_slice %arg2[%add3A_12, %dma_start3A_16] : memref<50000x128xi32, #tpu.memory_space<hbm>> -> memref<776x128xi32, #tpu.memory_space<hbm>>
        tpu.enqueue_dma source(%dma_start3A_17 : memref<776x128xi32, #tpu.memory_space<hbm>>) target(%arg4 : memref<776x128xi32, #tpu.memory_space<vmem>>) target_semaphore(%run_scoped3A : memref<!tpu.dma_semaphore, #tpu.memory_space<semaphore_mem>>)
        %dma_wait3A = arith.constant 0 : i32
        %dma_wait3A_18 = tpu.memref_slice %arg2[%add3A_12, %dma_wait3A] : memref<50000x128xi32, #tpu.memory_space<hbm>> -> memref<776x128xi32, #tpu.memory_space<hbm>>
        %dma_wait3A_19 = arith.constant 0 : i32
        %dma_wait3A_20 = tpu.memref_slice %arg2[%add3A_12, %dma_wait3A_19] : memref<50000x128xi32, #tpu.memory_space<hbm>> -> memref<776x128xi32, #tpu.memory_space<hbm>>
        tpu.wait_dma2 semaphore(%run_scoped3A : memref<!tpu.dma_semaphore, #tpu.memory_space<semaphore_mem>>) src(%dma_wait3A_20 : memref<776x128xi32, #tpu.memory_space<hbm>>) dst(%arg4 : memref<776x128xi32, #tpu.memory_space<vmem>>)
        tpu.yield
      }) : () -> ()
      "tpu.region"() ({
        %run_scoped3A = tpu.sem_alloc : memref<!tpu.dma_semaphore, #tpu.memory_space<semaphore_mem>>
        %dma_start3A = arith.constant 0 : i32
        %dma_start3A_15 = tpu.memref_slice %arg3[%add3A_12, %dma_start3A] : memref<50000x128xi32, #tpu.memory_space<hbm>> -> memref<776x128xi32, #tpu.memory_space<hbm>>
        %dma_start3A_16 = arith.constant 0 : i32
        %dma_start3A_17 = tpu.memref_slice %arg3[%add3A_12, %dma_start3A_16] : memref<50000x128xi32, #tpu.memory_space<hbm>> -> memref<776x128xi32, #tpu.memory_space<hbm>>
        tpu.enqueue_dma source(%arg4 : memref<776x128xi32, #tpu.memory_space<vmem>>) target(%dma_start3A_17 : memref<776x128xi32, #tpu.memory_space<hbm>>) target_semaphore(%run_scoped3A : memref<!tpu.dma_semaphore, #tpu.memory_space<semaphore_mem>>)
        %dma_wait3A = arith.constant 0 : i32
        %dma_wait3A_18 = tpu.memref_slice %arg3[%add3A_12, %dma_wait3A] : memref<50000x128xi32, #tpu.memory_space<hbm>> -> memref<776x128xi32, #tpu.memory_space<hbm>>
        %dma_wait3A_19 = arith.constant 0 : i32
        %dma_wait3A_20 = tpu.memref_slice %arg3[%add3A_12, %dma_wait3A_19] : memref<50000x128xi32, #tpu.memory_space<hbm>> -> memref<776x128xi32, #tpu.memory_space<hbm>>
        tpu.wait_dma2 semaphore(%run_scoped3A : memref<!tpu.dma_semaphore, #tpu.memory_space<semaphore_mem>>) src(%arg4 : memref<776x128xi32, #tpu.memory_space<vmem>>) dst(%dma_wait3A_20 : memref<776x128xi32, #tpu.memory_space<hbm>>)
        tpu.yield
      }) : () -> ()
      %add3A_13 = arith.constant 776 : i32
      %add3A_14 = arith.addi %add3A_4, %add3A_13 : i32
      "tpu.region"() ({
        %run_scoped3A = tpu.sem_alloc : memref<!tpu.dma_semaphore, #tpu.memory_space<semaphore_mem>>
        %dma_start3A = arith.constant 0 : i32
        %dma_start3A_15 = tpu.memref_slice %arg2[%add3A_14, %dma_start3A] : memref<50000x128xi32, #tpu.memory_space<hbm>> -> memref<776x128xi32, #tpu.memory_space<hbm>>
        %dma_start3A_16 = arith.constant 0 : i32
        %dma_start3A_17 = tpu.memref_slice %arg2[%add3A_14, %dma_start3A_16] : memref<50000x128xi32, #tpu.memory_space<hbm>> -> memref<776x128xi32, #tpu.memory_space<hbm>>
        tpu.enqueue_dma source(%dma_start3A_17 : memref<776x128xi32, #tpu.memory_space<hbm>>) target(%arg4 : memref<776x128xi32, #tpu.memory_space<vmem>>) target_semaphore(%run_scoped3A : memref<!tpu.dma_semaphore, #tpu.memory_space<semaphore_mem>>)
        %dma_wait3A = arith.constant 0 : i32
        %dma_wait3A_18 = tpu.memref_slice %arg2[%add3A_14, %dma_wait3A] : memref<50000x128xi32, #tpu.memory_space<hbm>> -> memref<776x128xi32, #tpu.memory_space<hbm>>
        %dma_wait3A_19 = arith.constant 0 : i32
        %dma_wait3A_20 = tpu.memref_slice %arg2[%add3A_14, %dma_wait3A_19] : memref<50000x128xi32, #tpu.memory_space<hbm>> -> memref<776x128xi32, #tpu.memory_space<hbm>>
        tpu.wait_dma2 semaphore(%run_scoped3A : memref<!tpu.dma_semaphore, #tpu.memory_space<semaphore_mem>>) src(%dma_wait3A_20 : memref<776x128xi32, #tpu.memory_space<hbm>>) dst(%arg4 : memref<776x128xi32, #tpu.memory_space<vmem>>)
        tpu.yield
      }) : () -> ()
      "tpu.region"() ({
        %run_scoped3A = tpu.sem_alloc : memref<!tpu.dma_semaphore, #tpu.memory_space<semaphore_mem>>
        %dma_start3A = arith.constant 0 : i32
        %dma_start3A_15 = tpu.memref_slice %arg3[%add3A_14, %dma_start3A] : memref<50000x128xi32, #tpu.memory_space<hbm>> -> memref<776x128xi32, #tpu.memory_space<hbm>>
        %dma_start3A_16 = arith.constant 0 : i32
        %dma_start3A_17 = tpu.memref_slice %arg3[%add3A_14, %dma_start3A_16] : memref<50000x128xi32, #tpu.memory_space<hbm>> -> memref<776x128xi32, #tpu.memory_space<hbm>>
        tpu.enqueue_dma source(%arg4 : memref<776x128xi32, #tpu.memory_space<vmem>>) target(%dma_start3A_17 : memref<776x128xi32, #tpu.memory_space<hbm>>) target_semaphore(%run_scoped3A : memref<!tpu.dma_semaphore, #tpu.memory_space<semaphore_mem>>)
        %dma_wait3A = arith.constant 0 : i32
        %dma_wait3A_18 = tpu.memref_slice %arg3[%add3A_14, %dma_wait3A] : memref<50000x128xi32, #tpu.memory_space<hbm>> -> memref<776x128xi32, #tpu.memory_space<hbm>>
        %dma_wait3A_19 = arith.constant 0 : i32
        %dma_wait3A_20 = tpu.memref_slice %arg3[%add3A_14, %dma_wait3A_19] : memref<50000x128xi32, #tpu.memory_space<hbm>> -> memref<776x128xi32, #tpu.memory_space<hbm>>
        tpu.wait_dma2 semaphore(%run_scoped3A : memref<!tpu.dma_semaphore, #tpu.memory_space<semaphore_mem>>) src(%arg4 : memref<776x128xi32, #tpu.memory_space<vmem>>) dst(%dma_wait3A_20 : memref<776x128xi32, #tpu.memory_space<hbm>>)
        tpu.yield
      }) : () -> ()
    } else {
    }
    %eq3A = arith.constant 31 : i32
    %eq3A_7 = arith.cmpi eq, %add3A, %eq3A : i32
    %convert_element_type3A_8 = arith.extui %eq3A_7 : i1 to i32
    %cond3A_9 = arith.constant 0 : i32
    %cond3A_10 = arith.cmpi ne, %convert_element_type3A_8, %cond3A_9 : i32
    scf.if %cond3A_10 {
      %add3A_11 = arith.constant 0 : i32
      %add3A_12 = arith.addi %add3A_4, %add3A_11 : i32
      "tpu.region"() ({
        %run_scoped3A = tpu.sem_alloc : memref<!tpu.dma_semaphore, #tpu.memory_space<semaphore_mem>>
        %dma_start3A = arith.constant 0 : i32
        %dma_start3A_15 = arith.constant 0 : i32
        %dma_start3A_16 = tpu.memref_slice %arg4[%dma_start3A, %dma_start3A_15] : memref<776x128xi32, #tpu.memory_space<vmem>> -> memref<744x128xi32, #tpu.memory_space<vmem>>
        %dma_start3A_17 = arith.constant 0 : i32
        %dma_start3A_18 = tpu.memref_slice %arg2[%add3A_12, %dma_start3A_17] : memref<50000x128xi32, #tpu.memory_space<hbm>> -> memref<744x128xi32, #tpu.memory_space<hbm>>
        %dma_start3A_19 = arith.constant 0 : i32
        %dma_start3A_20 = arith.constant 0 : i32
        %dma_start3A_21 = tpu.memref_slice %arg4[%dma_start3A_19, %dma_start3A_20] : memref<776x128xi32, #tpu.memory_space<vmem>> -> memref<744x128xi32, #tpu.memory_space<vmem>>
        %dma_start3A_22 = arith.constant 0 : i32
        %dma_start3A_23 = tpu.memref_slice %arg2[%add3A_12, %dma_start3A_22] : memref<50000x128xi32, #tpu.memory_space<hbm>> -> memref<744x128xi32, #tpu.memory_space<hbm>>
        tpu.enqueue_dma source(%dma_start3A_23 : memref<744x128xi32, #tpu.memory_space<hbm>>) target(%dma_start3A_21 : memref<744x128xi32, #tpu.memory_space<vmem>>) target_semaphore(%run_scoped3A : memref<!tpu.dma_semaphore, #tpu.memory_space<semaphore_mem>>)
        %dma_wait3A = arith.constant 0 : i32
        %dma_wait3A_24 = arith.constant 0 : i32
        %dma_wait3A_25 = tpu.memref_slice %arg4[%dma_wait3A, %dma_wait3A_24] : memref<776x128xi32, #tpu.memory_space<vmem>> -> memref<744x128xi32, #tpu.memory_space<vmem>>
        %dma_wait3A_26 = arith.constant 0 : i32
        %dma_wait3A_27 = tpu.memref_slice %arg2[%add3A_12, %dma_wait3A_26] : memref<50000x128xi32, #tpu.memory_space<hbm>> -> memref<744x128xi32, #tpu.memory_space<hbm>>
        %dma_wait3A_28 = arith.constant 0 : i32
        %dma_wait3A_29 = arith.constant 0 : i32
        %dma_wait3A_30 = tpu.memref_slice %arg4[%dma_wait3A_28, %dma_wait3A_29] : memref<776x128xi32, #tpu.memory_space<vmem>> -> memref<744x128xi32, #tpu.memory_space<vmem>>
        %dma_wait3A_31 = arith.constant 0 : i32
        %dma_wait3A_32 = tpu.memref_slice %arg2[%add3A_12, %dma_wait3A_31] : memref<50000x128xi32, #tpu.memory_space<hbm>> -> memref<744x128xi32, #tpu.memory_space<hbm>>
        tpu.wait_dma2 semaphore(%run_scoped3A : memref<!tpu.dma_semaphore, #tpu.memory_space<semaphore_mem>>) src(%dma_wait3A_32 : memref<744x128xi32, #tpu.memory_space<hbm>>) dst(%dma_wait3A_30 : memref<744x128xi32, #tpu.memory_space<vmem>>)
        tpu.yield
      }) : () -> ()
      "tpu.region"() ({
        %run_scoped3A = tpu.sem_alloc : memref<!tpu.dma_semaphore, #tpu.memory_space<semaphore_mem>>
        %dma_start3A = arith.constant 0 : i32
        %dma_start3A_15 = arith.constant 0 : i32
        %dma_start3A_16 = tpu.memref_slice %arg4[%dma_start3A, %dma_start3A_15] : memref<776x128xi32, #tpu.memory_space<vmem>> -> memref<744x128xi32, #tpu.memory_space<vmem>>
        %dma_start3A_17 = arith.constant 0 : i32
        %dma_start3A_18 = tpu.memref_slice %arg3[%add3A_12, %dma_start3A_17] : memref<50000x128xi32, #tpu.memory_space<hbm>> -> memref<744x128xi32, #tpu.memory_space<hbm>>
        %dma_start3A_19 = arith.constant 0 : i32
        %dma_start3A_20 = tpu.memref_slice %arg3[%add3A_12, %dma_start3A_19] : memref<50000x128xi32, #tpu.memory_space<hbm>> -> memref<744x128xi32, #tpu.memory_space<hbm>>
        %dma_start3A_21 = arith.constant 0 : i32
        %dma_start3A_22 = arith.constant 0 : i32
        %dma_start3A_23 = tpu.memref_slice %arg4[%dma_start3A_21, %dma_start3A_22] : memref<776x128xi32, #tpu.memory_space<vmem>> -> memref<744x128xi32, #tpu.memory_space<vmem>>
        tpu.enqueue_dma source(%dma_start3A_23 : memref<744x128xi32, #tpu.memory_space<vmem>>) target(%dma_start3A_20 : memref<744x128xi32, #tpu.memory_space<hbm>>) target_semaphore(%run_scoped3A : memref<!tpu.dma_semaphore, #tpu.memory_space<semaphore_mem>>)
        %dma_wait3A = arith.constant 0 : i32
        %dma_wait3A_24 = arith.constant 0 : i32
        %dma_wait3A_25 = tpu.memref_slice %arg4[%dma_wait3A, %dma_wait3A_24] : memref<776x128xi32, #tpu.memory_space<vmem>> -> memref<744x128xi32, #tpu.memory_space<vmem>>
        %dma_wait3A_26 = arith.constant 0 : i32
        %dma_wait3A_27 = tpu.memref_slice %arg3[%add3A_12, %dma_wait3A_26] : memref<50000x128xi32, #tpu.memory_space<hbm>> -> memref<744x128xi32, #tpu.memory_space<hbm>>
        %dma_wait3A_28 = arith.constant 0 : i32
        %dma_wait3A_29 = tpu.memref_slice %arg3[%add3A_12, %dma_wait3A_28] : memref<50000x128xi32, #tpu.memory_space<hbm>> -> memref<744x128xi32, #tpu.memory_space<hbm>>
        %dma_wait3A_30 = arith.constant 0 : i32
        %dma_wait3A_31 = arith.constant 0 : i32
        %dma_wait3A_32 = tpu.memref_slice %arg4[%dma_wait3A_30, %dma_wait3A_31] : memref<776x128xi32, #tpu.memory_space<vmem>> -> memref<744x128xi32, #tpu.memory_space<vmem>>
        tpu.wait_dma2 semaphore(%run_scoped3A : memref<!tpu.dma_semaphore, #tpu.memory_space<semaphore_mem>>) src(%dma_wait3A_32 : memref<744x128xi32, #tpu.memory_space<vmem>>) dst(%dma_wait3A_29 : memref<744x128xi32, #tpu.memory_space<hbm>>)
        tpu.yield
      }) : () -> ()
      %add3A_13 = arith.constant 744 : i32
      %add3A_14 = arith.addi %add3A_4, %add3A_13 : i32
      "tpu.region"() ({
        %run_scoped3A = tpu.sem_alloc : memref<!tpu.dma_semaphore, #tpu.memory_space<semaphore_mem>>
        %dma_start3A = arith.constant 0 : i32
        %dma_start3A_15 = arith.constant 0 : i32
        %dma_start3A_16 = tpu.memref_slice %arg4[%dma_start3A, %dma_start3A_15] : memref<776x128xi32, #tpu.memory_space<vmem>> -> memref<744x128xi32, #tpu.memory_space<vmem>>
        %dma_start3A_17 = arith.constant 0 : i32
        %dma_start3A_18 = tpu.memref_slice %arg2[%add3A_14, %dma_start3A_17] : memref<50000x128xi32, #tpu.memory_space<hbm>> -> memref<744x128xi32, #tpu.memory_space<hbm>>
        %dma_start3A_19 = arith.constant 0 : i32
        %dma_start3A_20 = arith.constant 0 : i32
        %dma_start3A_21 = tpu.memref_slice %arg4[%dma_start3A_19, %dma_start3A_20] : memref<776x128xi32, #tpu.memory_space<vmem>> -> memref<744x128xi32, #tpu.memory_space<vmem>>
        %dma_start3A_22 = arith.constant 0 : i32
        %dma_start3A_23 = tpu.memref_slice %arg2[%add3A_14, %dma_start3A_22] : memref<50000x128xi32, #tpu.memory_space<hbm>> -> memref<744x128xi32, #tpu.memory_space<hbm>>
        tpu.enqueue_dma source(%dma_start3A_23 : memref<744x128xi32, #tpu.memory_space<hbm>>) target(%dma_start3A_21 : memref<744x128xi32, #tpu.memory_space<vmem>>) target_semaphore(%run_scoped3A : memref<!tpu.dma_semaphore, #tpu.memory_space<semaphore_mem>>)
        %dma_wait3A = arith.constant 0 : i32
        %dma_wait3A_24 = arith.constant 0 : i32
        %dma_wait3A_25 = tpu.memref_slice %arg4[%dma_wait3A, %dma_wait3A_24] : memref<776x128xi32, #tpu.memory_space<vmem>> -> memref<744x128xi32, #tpu.memory_space<vmem>>
        %dma_wait3A_26 = arith.constant 0 : i32
        %dma_wait3A_27 = tpu.memref_slice %arg2[%add3A_14, %dma_wait3A_26] : memref<50000x128xi32, #tpu.memory_space<hbm>> -> memref<744x128xi32, #tpu.memory_space<hbm>>
        %dma_wait3A_28 = arith.constant 0 : i32
        %dma_wait3A_29 = arith.constant 0 : i32
        %dma_wait3A_30 = tpu.memref_slice %arg4[%dma_wait3A_28, %dma_wait3A_29] : memref<776x128xi32, #tpu.memory_space<vmem>> -> memref<744x128xi32, #tpu.memory_space<vmem>>
        %dma_wait3A_31 = arith.constant 0 : i32
        %dma_wait3A_32 = tpu.memref_slice %arg2[%add3A_14, %dma_wait3A_31] : memref<50000x128xi32, #tpu.memory_space<hbm>> -> memref<744x128xi32, #tpu.memory_space<hbm>>
        tpu.wait_dma2 semaphore(%run_scoped3A : memref<!tpu.dma_semaphore, #tpu.memory_space<semaphore_mem>>) src(%dma_wait3A_32 : memref<744x128xi32, #tpu.memory_space<hbm>>) dst(%dma_wait3A_30 : memref<744x128xi32, #tpu.memory_space<vmem>>)
        tpu.yield
      }) : () -> ()
      "tpu.region"() ({
        %run_scoped3A = tpu.sem_alloc : memref<!tpu.dma_semaphore, #tpu.memory_space<semaphore_mem>>
        %dma_start3A = arith.constant 0 : i32
        %dma_start3A_15 = arith.constant 0 : i32
        %dma_start3A_16 = tpu.memref_slice %arg4[%dma_start3A, %dma_start3A_15] : memref<776x128xi32, #tpu.memory_space<vmem>> -> memref<744x128xi32, #tpu.memory_space<vmem>>
        %dma_start3A_17 = arith.constant 0 : i32
        %dma_start3A_18 = tpu.memref_slice %arg3[%add3A_14, %dma_start3A_17] : memref<50000x128xi32, #tpu.memory_space<hbm>> -> memref<744x128xi32, #tpu.memory_space<hbm>>
        %dma_start3A_19 = arith.constant 0 : i32
        %dma_start3A_20 = tpu.memref_slice %arg3[%add3A_14, %dma_start3A_19] : memref<50000x128xi32, #tpu.memory_space<hbm>> -> memref<744x128xi32, #tpu.memory_space<hbm>>
        %dma_start3A_21 = arith.constant 0 : i32
        %dma_start3A_22 = arith.constant 0 : i32
        %dma_start3A_23 = tpu.memref_slice %arg4[%dma_start3A_21, %dma_start3A_22] : memref<776x128xi32, #tpu.memory_space<vmem>> -> memref<744x128xi32, #tpu.memory_space<vmem>>
        tpu.enqueue_dma source(%dma_start3A_23 : memref<744x128xi32, #tpu.memory_space<vmem>>) target(%dma_start3A_20 : memref<744x128xi32, #tpu.memory_space<hbm>>) target_semaphore(%run_scoped3A : memref<!tpu.dma_semaphore, #tpu.memory_space<semaphore_mem>>)
        %dma_wait3A = arith.constant 0 : i32
        %dma_wait3A_24 = arith.constant 0 : i32
        %dma_wait3A_25 = tpu.memref_slice %arg4[%dma_wait3A, %dma_wait3A_24] : memref<776x128xi32, #tpu.memory_space<vmem>> -> memref<744x128xi32, #tpu.memory_space<vmem>>
        %dma_wait3A_26 = arith.constant 0 : i32
        %dma_wait3A_27 = tpu.memref_slice %arg3[%add3A_14, %dma_wait3A_26] : memref<50000x128xi32, #tpu.memory_space<hbm>> -> memref<744x128xi32, #tpu.memory_space<hbm>>
        %dma_wait3A_28 = arith.constant 0 : i32
        %dma_wait3A_29 = tpu.memref_slice %arg3[%add3A_14, %dma_wait3A_28] : memref<50000x128xi32, #tpu.memory_space<hbm>> -> memref<744x128xi32, #tpu.memory_space<hbm>>
        %dma_wait3A_30 = arith.constant 0 : i32
        %dma_wait3A_31 = arith.constant 0 : i32
        %dma_wait3A_32 = tpu.memref_slice %arg4[%dma_wait3A_30, %dma_wait3A_31] : memref<776x128xi32, #tpu.memory_space<vmem>> -> memref<744x128xi32, #tpu.memory_space<vmem>>
        tpu.wait_dma2 semaphore(%run_scoped3A : memref<!tpu.dma_semaphore, #tpu.memory_space<semaphore_mem>>) src(%dma_wait3A_32 : memref<744x128xi32, #tpu.memory_space<vmem>>) dst(%dma_wait3A_29 : memref<744x128xi32, #tpu.memory_space<hbm>>)
        tpu.yield
      }) : () -> ()
    } else {
    }
    return
  }
}

module attributes {stable_mosaic.version = 14 : i64} {
  func.func @_rerank_body(%arg0: i32, %arg1: memref<4x1x400xi32, #tpu.memory_space<smem>>, %arg2: memref<4x1x400xi32, #tpu.memory_space<vmem>>, %arg3: memref<4x1x400xf32, #tpu.memory_space<vmem>>, %arg4: memref<4x1x400xi32, #tpu.memory_space<vmem>>, %arg5: memref<4x400x2048xf32, #tpu.memory_space<vmem>>, %arg6: memref<4x1x400xi32, #tpu.memory_space<vmem>>) attributes {dimension_semantics = [#tpu.dimension_semantics<arbitrary>], iteration_bounds = array<i64: 32>, scalar_prefetch = 0 : i64, scratch_operands = 0 : i64, tpu.core_type = #tpu.core_type<tc>, window_params = [{transform_indices = @transform_0, window_bounds = array<i64: 4, 1, 400>}, {transform_indices = @transform_1, window_bounds = array<i64: 4, 1, 400>}, {transform_indices = @transform_2, window_bounds = array<i64: 4, 1, 400>}, {transform_indices = @transform_3, window_bounds = array<i64: 4, 1, 400>}, {transform_indices = @transform_4, window_bounds = array<i64: 4, 400, 2048>}, {transform_indices = @transform_5, window_bounds = array<i64: 4, 1, 400>}]} {
    %iota3A = tpu.iota {dimensions = array<i32: 1>} : vector<400x400xi32>
    %iota3A_0 = tpu.iota {dimensions = array<i32: 0>} : vector<400x400xi32>
    %eq3A = arith.cmpi eq, %iota3A, %iota3A_0 : vector<400x400xi32>
    %lt3A = arith.cmpi slt, %iota3A, %iota3A_0 : vector<400x400xi32>
    %get3A = arith.constant 0 : index
    %get3A_1 = arith.constant 0 : index
    %get3A_2 = arith.constant 0 : index
    %get3A_3 = vector.load %arg5[%get3A, %get3A_1, %get3A_2] : memref<4x400x2048xf32, #tpu.memory_space<vmem>>, vector<1x400x2048xf32>
    %get3A_4 = vector.shape_cast %get3A_3 : vector<1x400x2048xf32> to vector<400x2048xf32>
    %get3A_5 = arith.constant 0 : index
    %get3A_6 = arith.constant 0 : index
    %get3A_7 = arith.constant 0 : index
    %get3A_8 = memref.load %arg1[%get3A_5, %get3A_6, %get3A_7] : memref<4x1x400xi32, #tpu.memory_space<smem>>
    %get3A_9 = arith.constant 0 : index
    %get3A_10 = arith.index_cast %get3A_8 : i32 to index
    %get3A_11 = arith.constant 0 : index
    %get3A_12 = vector.load %arg5[%get3A_9, %get3A_10, %get3A_11] : memref<4x400x2048xf32, #tpu.memory_space<vmem>>, vector<1x1x2048xf32>
    %get3A_13 = vector.shape_cast %get3A_12 : vector<1x1x2048xf32> to vector<1x2048xf32>
    %get3A_14 = arith.constant 0 : index
    %get3A_15 = arith.constant 0 : index
    %get3A_16 = arith.constant 1 : index
    %get3A_17 = memref.load %arg1[%get3A_14, %get3A_15, %get3A_16] : memref<4x1x400xi32, #tpu.memory_space<smem>>
    %get3A_18 = arith.constant 0 : index
    %get3A_19 = arith.index_cast %get3A_17 : i32 to index
    %get3A_20 = arith.constant 0 : index
    %get3A_21 = vector.load %arg5[%get3A_18, %get3A_19, %get3A_20] : memref<4x400x2048xf32, #tpu.memory_space<vmem>>, vector<1x1x2048xf32>
    %get3A_22 = vector.shape_cast %get3A_21 : vector<1x1x2048xf32> to vector<1x2048xf32>
    %max3A = arith.maximumf %get3A_13, %get3A_22 : vector<1x2048xf32>
    %get3A_23 = arith.constant 0 : index
    %get3A_24 = arith.constant 0 : index
    %get3A_25 = arith.constant 2 : index
    %get3A_26 = memref.load %arg1[%get3A_23, %get3A_24, %get3A_25] : memref<4x1x400xi32, #tpu.memory_space<smem>>
    %get3A_27 = arith.constant 0 : index
    %get3A_28 = arith.index_cast %get3A_26 : i32 to index
    %get3A_29 = arith.constant 0 : index
    %get3A_30 = vector.load %arg5[%get3A_27, %get3A_28, %get3A_29] : memref<4x400x2048xf32, #tpu.memory_space<vmem>>, vector<1x1x2048xf32>
    %get3A_31 = vector.shape_cast %get3A_30 : vector<1x1x2048xf32> to vector<1x2048xf32>
    %max3A_32 = arith.maximumf %max3A, %get3A_31 : vector<1x2048xf32>
    %get3A_33 = arith.constant 0 : index
    %get3A_34 = arith.constant 0 : index
    %get3A_35 = arith.constant 3 : index
    %get3A_36 = memref.load %arg1[%get3A_33, %get3A_34, %get3A_35] : memref<4x1x400xi32, #tpu.memory_space<smem>>
    %get3A_37 = arith.constant 0 : index
    %get3A_38 = arith.index_cast %get3A_36 : i32 to index
    %get3A_39 = arith.constant 0 : index
    %get3A_40 = vector.load %arg5[%get3A_37, %get3A_38, %get3A_39] : memref<4x400x2048xf32, #tpu.memory_space<vmem>>, vector<1x1x2048xf32>
    %get3A_41 = vector.shape_cast %get3A_40 : vector<1x1x2048xf32> to vector<1x2048xf32>
    %max3A_42 = arith.maximumf %max3A_32, %get3A_41 : vector<1x2048xf32>
    %get3A_43 = arith.constant 0 : index
    %get3A_44 = arith.constant 0 : index
    %get3A_45 = arith.constant 4 : index
    %get3A_46 = memref.load %arg1[%get3A_43, %get3A_44, %get3A_45] : memref<4x1x400xi32, #tpu.memory_space<smem>>
    %get3A_47 = arith.constant 0 : index
    %get3A_48 = arith.index_cast %get3A_46 : i32 to index
    %get3A_49 = arith.constant 0 : index
    %get3A_50 = vector.load %arg5[%get3A_47, %get3A_48, %get3A_49] : memref<4x400x2048xf32, #tpu.memory_space<vmem>>, vector<1x1x2048xf32>
    %get3A_51 = vector.shape_cast %get3A_50 : vector<1x1x2048xf32> to vector<1x2048xf32>
    %max3A_52 = arith.maximumf %max3A_42, %get3A_51 : vector<1x2048xf32>
    %get3A_53 = arith.constant 0 : index
    %get3A_54 = arith.constant 0 : index
    %get3A_55 = arith.constant 5 : index
    %get3A_56 = memref.load %arg1[%get3A_53, %get3A_54, %get3A_55] : memref<4x1x400xi32, #tpu.memory_space<smem>>
    %get3A_57 = arith.constant 0 : index
    %get3A_58 = arith.index_cast %get3A_56 : i32 to index
    %get3A_59 = arith.constant 0 : index
    %get3A_60 = vector.load %arg5[%get3A_57, %get3A_58, %get3A_59] : memref<4x400x2048xf32, #tpu.memory_space<vmem>>, vector<1x1x2048xf32>
    %get3A_61 = vector.shape_cast %get3A_60 : vector<1x1x2048xf32> to vector<1x2048xf32>
    %max3A_62 = arith.maximumf %max3A_52, %get3A_61 : vector<1x2048xf32>
    %get3A_63 = arith.constant 0 : index
    %get3A_64 = arith.constant 0 : index
    %get3A_65 = arith.constant 6 : index
    %get3A_66 = memref.load %arg1[%get3A_63, %get3A_64, %get3A_65] : memref<4x1x400xi32, #tpu.memory_space<smem>>
    %get3A_67 = arith.constant 0 : index
    %get3A_68 = arith.index_cast %get3A_66 : i32 to index
    %get3A_69 = arith.constant 0 : index
    %get3A_70 = vector.load %arg5[%get3A_67, %get3A_68, %get3A_69] : memref<4x400x2048xf32, #tpu.memory_space<vmem>>, vector<1x1x2048xf32>
    %get3A_71 = vector.shape_cast %get3A_70 : vector<1x1x2048xf32> to vector<1x2048xf32>
    %max3A_72 = arith.maximumf %max3A_62, %get3A_71 : vector<1x2048xf32>
    %get3A_73 = arith.constant 0 : index
    %get3A_74 = arith.constant 0 : index
    %get3A_75 = arith.constant 7 : index
    %get3A_76 = memref.load %arg1[%get3A_73, %get3A_74, %get3A_75] : memref<4x1x400xi32, #tpu.memory_space<smem>>
    %get3A_77 = arith.constant 0 : index
    %get3A_78 = arith.index_cast %get3A_76 : i32 to index
    %get3A_79 = arith.constant 0 : index
    %get3A_80 = vector.load %arg5[%get3A_77, %get3A_78, %get3A_79] : memref<4x400x2048xf32, #tpu.memory_space<vmem>>, vector<1x1x2048xf32>
    %get3A_81 = vector.shape_cast %get3A_80 : vector<1x1x2048xf32> to vector<1x2048xf32>
    %max3A_82 = arith.maximumf %max3A_72, %get3A_81 : vector<1x2048xf32>
    %get3A_83 = arith.constant 0 : index
    %get3A_84 = arith.constant 0 : index
    %get3A_85 = arith.constant 8 : index
    %get3A_86 = memref.load %arg1[%get3A_83, %get3A_84, %get3A_85] : memref<4x1x400xi32, #tpu.memory_space<smem>>
    %get3A_87 = arith.constant 0 : index
    %get3A_88 = arith.index_cast %get3A_86 : i32 to index
    %get3A_89 = arith.constant 0 : index
    %get3A_90 = vector.load %arg5[%get3A_87, %get3A_88, %get3A_89] : memref<4x400x2048xf32, #tpu.memory_space<vmem>>, vector<1x1x2048xf32>
    %get3A_91 = vector.shape_cast %get3A_90 : vector<1x1x2048xf32> to vector<1x2048xf32>
    %max3A_92 = arith.maximumf %max3A_82, %get3A_91 : vector<1x2048xf32>
    %get3A_93 = arith.constant 0 : index
    %get3A_94 = arith.constant 0 : index
    %get3A_95 = arith.constant 9 : index
    %get3A_96 = memref.load %arg1[%get3A_93, %get3A_94, %get3A_95] : memref<4x1x400xi32, #tpu.memory_space<smem>>
    %get3A_97 = arith.constant 0 : index
    %get3A_98 = arith.index_cast %get3A_96 : i32 to index
    %get3A_99 = arith.constant 0 : index
    %get3A_100 = vector.load %arg5[%get3A_97, %get3A_98, %get3A_99] : memref<4x400x2048xf32, #tpu.memory_space<vmem>>, vector<1x1x2048xf32>
    %get3A_101 = vector.shape_cast %get3A_100 : vector<1x1x2048xf32> to vector<1x2048xf32>
    %max3A_102 = arith.maximumf %max3A_92, %get3A_101 : vector<1x2048xf32>
    %convert_element_type3A = arith.truncf %get3A_4 : vector<400x2048xf32> to vector<400x2048xbf16>
    %convert_element_type3A_103 = arith.extf %convert_element_type3A : vector<400x2048xbf16> to vector<400x2048xf32>
    %convert_element_type3A_104 = arith.truncf %max3A_102 : vector<1x2048xf32> to vector<1x2048xbf16>
    %convert_element_type3A_105 = arith.extf %convert_element_type3A_104 : vector<1x2048xbf16> to vector<1x2048xf32>
    %mul3A = vector.broadcast %convert_element_type3A_105 : vector<1x2048xf32> to vector<400x2048xf32>
    %mul3A_106 = arith.mulf %convert_element_type3A_103, %mul3A : vector<400x2048xf32>
    %reduce_sum3A = arith.constant dense<0.000000e+00> : vector<400xf32>
    %reduce_sum3A_107 = vector.multi_reduction <add>, %mul3A_106, %reduce_sum3A [1] : vector<400x2048xf32> to vector<400xf32>
    %broadcast_in_dim3A = vector.shape_cast %reduce_sum3A_107 : vector<400xf32> to vector<400x1xf32>
    %get3A_108 = arith.constant 0 : index
    %get3A_109 = arith.constant 0 : index
    %get3A_110 = arith.constant 0 : index
    %get3A_111 = vector.load %arg3[%get3A_108, %get3A_109, %get3A_110] : memref<4x1x400xf32, #tpu.memory_space<vmem>>, vector<1x1x400xf32>
    %get3A_112 = vector.shape_cast %get3A_111 : vector<1x1x400xf32> to vector<1x400xf32>
    %get3A_113 = arith.constant 0 : index
    %get3A_114 = arith.constant 0 : index
    %get3A_115 = arith.constant 0 : index
    %get3A_116 = vector.load %arg4[%get3A_113, %get3A_114, %get3A_115] : memref<4x1x400xi32, #tpu.memory_space<vmem>>, vector<1x1x400xi32>
    %get3A_117 = vector.shape_cast %get3A_116 : vector<1x1x400xi32> to vector<1x400xi32>
    %get3A_118 = arith.constant 0 : index
    %get3A_119 = arith.constant 0 : index
    %get3A_120 = arith.constant 0 : index
    %get3A_121 = vector.load %arg2[%get3A_118, %get3A_119, %get3A_120] : memref<4x1x400xi32, #tpu.memory_space<vmem>>, vector<1x1x400xi32>
    %get3A_122 = vector.shape_cast %get3A_121 : vector<1x1x400xi32> to vector<1x400xi32>
    %jit3A = arith.constant 0.000000e+00 : f32
    %broadcast_in_dim3A_123 = vector.shape_cast %get3A_112 : vector<1x400xf32> to vector<1x400xf32>
    %broadcast_in_dim3A_124 = vector.broadcast %broadcast_in_dim3A_123 : vector<1x400xf32> to vector<400x400xf32>
    %broadcast_in_dim3A_125 = vector.broadcast %jit3A : f32 to vector<400x400xf32>
    %select_n3A = arith.select %eq3A, %broadcast_in_dim3A_124, %broadcast_in_dim3A_125 : vector<400x400xi1>, vector<400x400xf32>
    %reduce_sum3A_126 = arith.constant dense<0.000000e+00> : vector<400xf32>
    %reduce_sum3A_127 = vector.multi_reduction <add>, %select_n3A, %reduce_sum3A_126 [1] : vector<400x400xf32> to vector<400xf32>
    %broadcast_in_dim3A_128 = vector.shape_cast %reduce_sum3A_127 : vector<400xf32> to vector<400x1xf32>
    %gt3A = vector.broadcast %get3A_112 : vector<1x400xf32> to vector<400x400xf32>
    %gt3A_129 = vector.broadcast %broadcast_in_dim3A_128 : vector<400x1xf32> to vector<400x400xf32>
    %gt3A_130 = arith.cmpf ogt, %gt3A, %gt3A_129 : vector<400x400xf32>
    %eq3A_131 = vector.broadcast %get3A_112 : vector<1x400xf32> to vector<400x400xf32>
    %eq3A_132 = vector.broadcast %broadcast_in_dim3A_128 : vector<400x1xf32> to vector<400x400xf32>
    %eq3A_133 = arith.cmpf oeq, %eq3A_131, %eq3A_132 : vector<400x400xf32>
    %and3A = arith.andi %eq3A_133, %lt3A : vector<400x400xi1>
    %or3A = arith.ori %gt3A_130, %and3A : vector<400x400xi1>
    %convert_element_type3A_134 = arith.extui %or3A : vector<400x400xi1> to vector<400x400xi32>
    %reduce_sum3A_135 = arith.constant dense<0> : vector<400xi32>
    %reduce_sum3A_136 = vector.multi_reduction <add>, %convert_element_type3A_134, %reduce_sum3A_135 [1] : vector<400x400xi32> to vector<400xi32>
    %broadcast_in_dim3A_137 = vector.shape_cast %reduce_sum3A_136 : vector<400xi32> to vector<400x1xi32>
    %eq3A_138 = vector.broadcast %broadcast_in_dim3A_137 : vector<400x1xi32> to vector<400x400xi32>
    %eq3A_139 = arith.cmpi eq, %eq3A_138, %iota3A : vector<400x400xi32>
    %jit3A_140 = arith.constant 0.000000e+00 : f32
    %broadcast_in_dim3A_141 = vector.shape_cast %broadcast_in_dim3A_128 : vector<400x1xf32> to vector<400x1xf32>
    %broadcast_in_dim3A_142 = vector.broadcast %broadcast_in_dim3A_141 : vector<400x1xf32> to vector<400x400xf32>
    %broadcast_in_dim3A_143 = vector.broadcast %jit3A_140 : f32 to vector<400x400xf32>
    %select_n3A_144 = arith.select %eq3A_139, %broadcast_in_dim3A_142, %broadcast_in_dim3A_143 : vector<400x400xi1>, vector<400x400xf32>
    %reduce_sum3A_145 = arith.constant dense<0.000000e+00> : vector<400xf32>
    %reduce_sum3A_146 = vector.multi_reduction <add>, %select_n3A_144, %reduce_sum3A_145 [0] : vector<400x400xf32> to vector<400xf32>
    %broadcast_in_dim3A_147 = vector.shape_cast %reduce_sum3A_146 : vector<400xf32> to vector<1x400xf32>
    %eq3A_148 = vector.broadcast %get3A_122 : vector<1x400xi32> to vector<400x400xi32>
    %eq3A_149 = arith.cmpi eq, %iota3A_0, %eq3A_148 : vector<400x400xi32>
    %jit3A_150 = arith.constant 0.000000e+00 : f32
    %broadcast_in_dim3A_151 = vector.shape_cast %broadcast_in_dim3A : vector<400x1xf32> to vector<400x1xf32>
    %broadcast_in_dim3A_152 = vector.broadcast %broadcast_in_dim3A_151 : vector<400x1xf32> to vector<400x400xf32>
    %broadcast_in_dim3A_153 = vector.broadcast %jit3A_150 : f32 to vector<400x400xf32>
    %select_n3A_154 = arith.select %eq3A_149, %broadcast_in_dim3A_152, %broadcast_in_dim3A_153 : vector<400x400xi1>, vector<400x400xf32>
    %reduce_sum3A_155 = arith.constant dense<0.000000e+00> : vector<400xf32>
    %reduce_sum3A_156 = vector.multi_reduction <add>, %select_n3A_154, %reduce_sum3A_155 [0] : vector<400x400xf32> to vector<400xf32>
    %broadcast_in_dim3A_157 = vector.shape_cast %reduce_sum3A_156 : vector<400xf32> to vector<1x400xf32>
    %add3A = arith.addf %broadcast_in_dim3A_147, %broadcast_in_dim3A_157 : vector<1x400xf32>
    %mul3A_158 = arith.constant 5.000000e-01 : f32
    %mul3A_159 = vector.broadcast %mul3A_158 : f32 to vector<1x400xf32>
    %mul3A_160 = arith.mulf %add3A, %mul3A_159 : vector<1x400xf32>
    %jit3A_161 = arith.constant 0.000000e+00 : f32
    %broadcast_in_dim3A_162 = vector.shape_cast %mul3A_160 : vector<1x400xf32> to vector<1x400xf32>
    %broadcast_in_dim3A_163 = vector.broadcast %broadcast_in_dim3A_162 : vector<1x400xf32> to vector<400x400xf32>
    %broadcast_in_dim3A_164 = vector.broadcast %jit3A_161 : f32 to vector<400x400xf32>
    %select_n3A_165 = arith.select %eq3A, %broadcast_in_dim3A_163, %broadcast_in_dim3A_164 : vector<400x400xi1>, vector<400x400xf32>
    %reduce_sum3A_166 = arith.constant dense<0.000000e+00> : vector<400xf32>
    %reduce_sum3A_167 = vector.multi_reduction <add>, %select_n3A_165, %reduce_sum3A_166 [1] : vector<400x400xf32> to vector<400xf32>
    %broadcast_in_dim3A_168 = vector.shape_cast %reduce_sum3A_167 : vector<400xf32> to vector<400x1xf32>
    %gt3A_169 = vector.broadcast %mul3A_160 : vector<1x400xf32> to vector<400x400xf32>
    %gt3A_170 = vector.broadcast %broadcast_in_dim3A_168 : vector<400x1xf32> to vector<400x400xf32>
    %gt3A_171 = arith.cmpf ogt, %gt3A_169, %gt3A_170 : vector<400x400xf32>
    %eq3A_172 = vector.broadcast %mul3A_160 : vector<1x400xf32> to vector<400x400xf32>
    %eq3A_173 = vector.broadcast %broadcast_in_dim3A_168 : vector<400x1xf32> to vector<400x400xf32>
    %eq3A_174 = arith.cmpf oeq, %eq3A_172, %eq3A_173 : vector<400x400xf32>
    %and3A_175 = arith.andi %eq3A_174, %lt3A : vector<400x400xi1>
    %or3A_176 = arith.ori %gt3A_171, %and3A_175 : vector<400x400xi1>
    %convert_element_type3A_177 = arith.extui %or3A_176 : vector<400x400xi1> to vector<400x400xi32>
    %reduce_sum3A_178 = arith.constant dense<0> : vector<400xi32>
    %reduce_sum3A_179 = vector.multi_reduction <add>, %convert_element_type3A_177, %reduce_sum3A_178 [1] : vector<400x400xi32> to vector<400xi32>
    %broadcast_in_dim3A_180 = vector.shape_cast %reduce_sum3A_179 : vector<400xi32> to vector<400x1xi32>
    %jit3A_181 = arith.constant 0 : i32
    %broadcast_in_dim3A_182 = vector.shape_cast %get3A_117 : vector<1x400xi32> to vector<1x400xi32>
    %broadcast_in_dim3A_183 = vector.broadcast %broadcast_in_dim3A_182 : vector<1x400xi32> to vector<400x400xi32>
    %broadcast_in_dim3A_184 = vector.broadcast %jit3A_181 : i32 to vector<400x400xi32>
    %select_n3A_185 = arith.select %eq3A, %broadcast_in_dim3A_183, %broadcast_in_dim3A_184 : vector<400x400xi1>, vector<400x400xi32>
    %reduce_sum3A_186 = arith.constant dense<0> : vector<400xi32>
    %reduce_sum3A_187 = vector.multi_reduction <add>, %select_n3A_185, %reduce_sum3A_186 [1] : vector<400x400xi32> to vector<400xi32>
    %broadcast_in_dim3A_188 = vector.shape_cast %reduce_sum3A_187 : vector<400xi32> to vector<400x1xi32>
    %eq3A_189 = vector.broadcast %broadcast_in_dim3A_180 : vector<400x1xi32> to vector<400x400xi32>
    %eq3A_190 = arith.cmpi eq, %eq3A_189, %iota3A : vector<400x400xi32>
    %jit3A_191 = arith.constant 0 : i32
    %broadcast_in_dim3A_192 = vector.shape_cast %broadcast_in_dim3A_188 : vector<400x1xi32> to vector<400x1xi32>
    %broadcast_in_dim3A_193 = vector.broadcast %broadcast_in_dim3A_192 : vector<400x1xi32> to vector<400x400xi32>
    %broadcast_in_dim3A_194 = vector.broadcast %jit3A_191 : i32 to vector<400x400xi32>
    %select_n3A_195 = arith.select %eq3A_190, %broadcast_in_dim3A_193, %broadcast_in_dim3A_194 : vector<400x400xi1>, vector<400x400xi32>
    %reduce_sum3A_196 = arith.constant dense<0> : vector<400xi32>
    %reduce_sum3A_197 = vector.multi_reduction <add>, %select_n3A_195, %reduce_sum3A_196 [0] : vector<400x400xi32> to vector<400xi32>
    %broadcast_in_dim3A_198 = vector.shape_cast %reduce_sum3A_197 : vector<400xi32> to vector<1x400xi32>
    %swap3A = arith.constant 0 : index
    %swap3A_199 = arith.constant 0 : index
    %swap3A_200 = arith.constant 0 : index
    %swap3A_201 = vector.load %arg6[%swap3A, %swap3A_199, %swap3A_200] : memref<4x1x400xi32, #tpu.memory_space<vmem>>, vector<1x1x400xi32>
    %swap3A_202 = vector.shape_cast %swap3A_201 : vector<1x1x400xi32> to vector<1x400xi32>
    %swap3A_203 = vector.shape_cast %broadcast_in_dim3A_198 : vector<1x400xi32> to vector<1x1x400xi32>
    tpu.vector_store %arg6[%swap3A, %swap3A_199, %swap3A_200], %swap3A_203 {strides = array<i32>} : memref<4x1x400xi32, #tpu.memory_space<vmem>>, vector<1x1x400xi32>,
    %get3A_204 = arith.constant 1 : index
    %get3A_205 = arith.constant 0 : index
    %get3A_206 = arith.constant 0 : index
    %get3A_207 = vector.load %arg5[%get3A_204, %get3A_205, %get3A_206] : memref<4x400x2048xf32, #tpu.memory_space<vmem>>, vector<1x400x2048xf32>
    %get3A_208 = vector.shape_cast %get3A_207 : vector<1x400x2048xf32> to vector<400x2048xf32>
    %get3A_209 = arith.constant 1 : index
    %get3A_210 = arith.constant 0 : index
    %get3A_211 = arith.constant 0 : index
    %get3A_212 = memref.load %arg1[%get3A_209, %get3A_210, %get3A_211] : memref<4x1x400xi32, #tpu.memory_space<smem>>
    %get3A_213 = arith.constant 1 : index
    %get3A_214 = arith.index_cast %get3A_212 : i32 to index
    %get3A_215 = arith.constant 0 : index
    %get3A_216 = vector.load %arg5[%get3A_213, %get3A_214, %get3A_215] : memref<4x400x2048xf32, #tpu.memory_space<vmem>>, vector<1x1x2048xf32>
    %get3A_217 = vector.shape_cast %get3A_216 : vector<1x1x2048xf32> to vector<1x2048xf32>
    %get3A_218 = arith.constant 1 : index
    %get3A_219 = arith.constant 0 : index
    %get3A_220 = arith.constant 1 : index
    %get3A_221 = memref.load %arg1[%get3A_218, %get3A_219, %get3A_220] : memref<4x1x400xi32, #tpu.memory_space<smem>>
    %get3A_222 = arith.constant 1 : index
    %get3A_223 = arith.index_cast %get3A_221 : i32 to index
    %get3A_224 = arith.constant 0 : index
    %get3A_225 = vector.load %arg5[%get3A_222, %get3A_223, %get3A_224] : memref<4x400x2048xf32, #tpu.memory_space<vmem>>, vector<1x1x2048xf32>
    %get3A_226 = vector.shape_cast %get3A_225 : vector<1x1x2048xf32> to vector<1x2048xf32>
    %max3A_227 = arith.maximumf %get3A_217, %get3A_226 : vector<1x2048xf32>
    %get3A_228 = arith.constant 1 : index
    %get3A_229 = arith.constant 0 : index
    %get3A_230 = arith.constant 2 : index
    %get3A_231 = memref.load %arg1[%get3A_228, %get3A_229, %get3A_230] : memref<4x1x400xi32, #tpu.memory_space<smem>>
    %get3A_232 = arith.constant 1 : index
    %get3A_233 = arith.index_cast %get3A_231 : i32 to index
    %get3A_234 = arith.constant 0 : index
    %get3A_235 = vector.load %arg5[%get3A_232, %get3A_233, %get3A_234] : memref<4x400x2048xf32, #tpu.memory_space<vmem>>, vector<1x1x2048xf32>
    %get3A_236 = vector.shape_cast %get3A_235 : vector<1x1x2048xf32> to vector<1x2048xf32>
    %max3A_237 = arith.maximumf %max3A_227, %get3A_236 : vector<1x2048xf32>
    %get3A_238 = arith.constant 1 : index
    %get3A_239 = arith.constant 0 : index
    %get3A_240 = arith.constant 3 : index
    %get3A_241 = memref.load %arg1[%get3A_238, %get3A_239, %get3A_240] : memref<4x1x400xi32, #tpu.memory_space<smem>>
    %get3A_242 = arith.constant 1 : index
    %get3A_243 = arith.index_cast %get3A_241 : i32 to index
    %get3A_244 = arith.constant 0 : index
    %get3A_245 = vector.load %arg5[%get3A_242, %get3A_243, %get3A_244] : memref<4x400x2048xf32, #tpu.memory_space<vmem>>, vector<1x1x2048xf32>
    %get3A_246 = vector.shape_cast %get3A_245 : vector<1x1x2048xf32> to vector<1x2048xf32>
    %max3A_247 = arith.maximumf %max3A_237, %get3A_246 : vector<1x2048xf32>
    %get3A_248 = arith.constant 1 : index
    %get3A_249 = arith.constant 0 : index
    %get3A_250 = arith.constant 4 : index
    %get3A_251 = memref.load %arg1[%get3A_248, %get3A_249, %get3A_250] : memref<4x1x400xi32, #tpu.memory_space<smem>>
    %get3A_252 = arith.constant 1 : index
    %get3A_253 = arith.index_cast %get3A_251 : i32 to index
    %get3A_254 = arith.constant 0 : index
    %get3A_255 = vector.load %arg5[%get3A_252, %get3A_253, %get3A_254] : memref<4x400x2048xf32, #tpu.memory_space<vmem>>, vector<1x1x2048xf32>
    %get3A_256 = vector.shape_cast %get3A_255 : vector<1x1x2048xf32> to vector<1x2048xf32>
    %max3A_257 = arith.maximumf %max3A_247, %get3A_256 : vector<1x2048xf32>
    %get3A_258 = arith.constant 1 : index
    %get3A_259 = arith.constant 0 : index
    %get3A_260 = arith.constant 5 : index
    %get3A_261 = memref.load %arg1[%get3A_258, %get3A_259, %get3A_260] : memref<4x1x400xi32, #tpu.memory_space<smem>>
    %get3A_262 = arith.constant 1 : index
    %get3A_263 = arith.index_cast %get3A_261 : i32 to index
    %get3A_264 = arith.constant 0 : index
    %get3A_265 = vector.load %arg5[%get3A_262, %get3A_263, %get3A_264] : memref<4x400x2048xf32, #tpu.memory_space<vmem>>, vector<1x1x2048xf32>
    %get3A_266 = vector.shape_cast %get3A_265 : vector<1x1x2048xf32> to vector<1x2048xf32>
    %max3A_267 = arith.maximumf %max3A_257, %get3A_266 : vector<1x2048xf32>
    %get3A_268 = arith.constant 1 : index
    %get3A_269 = arith.constant 0 : index
    %get3A_270 = arith.constant 6 : index
    %get3A_271 = memref.load %arg1[%get3A_268, %get3A_269, %get3A_270] : memref<4x1x400xi32, #tpu.memory_space<smem>>
    %get3A_272 = arith.constant 1 : index
    %get3A_273 = arith.index_cast %get3A_271 : i32 to index
    %get3A_274 = arith.constant 0 : index
    %get3A_275 = vector.load %arg5[%get3A_272, %get3A_273, %get3A_274] : memref<4x400x2048xf32, #tpu.memory_space<vmem>>, vector<1x1x2048xf32>
    %get3A_276 = vector.shape_cast %get3A_275 : vector<1x1x2048xf32> to vector<1x2048xf32>
    %max3A_277 = arith.maximumf %max3A_267, %get3A_276 : vector<1x2048xf32>
    %get3A_278 = arith.constant 1 : index
    %get3A_279 = arith.constant 0 : index
    %get3A_280 = arith.constant 7 : index
    %get3A_281 = memref.load %arg1[%get3A_278, %get3A_279, %get3A_280] : memref<4x1x400xi32, #tpu.memory_space<smem>>
    %get3A_282 = arith.constant 1 : index
    %get3A_283 = arith.index_cast %get3A_281 : i32 to index
    %get3A_284 = arith.constant 0 : index
    %get3A_285 = vector.load %arg5[%get3A_282, %get3A_283, %get3A_284] : memref<4x400x2048xf32, #tpu.memory_space<vmem>>, vector<1x1x2048xf32>
    %get3A_286 = vector.shape_cast %get3A_285 : vector<1x1x2048xf32> to vector<1x2048xf32>
    %max3A_287 = arith.maximumf %max3A_277, %get3A_286 : vector<1x2048xf32>
    %get3A_288 = arith.constant 1 : index
    %get3A_289 = arith.constant 0 : index
    %get3A_290 = arith.constant 8 : index
    %get3A_291 = memref.load %arg1[%get3A_288, %get3A_289, %get3A_290] : memref<4x1x400xi32, #tpu.memory_space<smem>>
    %get3A_292 = arith.constant 1 : index
    %get3A_293 = arith.index_cast %get3A_291 : i32 to index
    %get3A_294 = arith.constant 0 : index
    %get3A_295 = vector.load %arg5[%get3A_292, %get3A_293, %get3A_294] : memref<4x400x2048xf32, #tpu.memory_space<vmem>>, vector<1x1x2048xf32>
    %get3A_296 = vector.shape_cast %get3A_295 : vector<1x1x2048xf32> to vector<1x2048xf32>
    %max3A_297 = arith.maximumf %max3A_287, %get3A_296 : vector<1x2048xf32>
    %get3A_298 = arith.constant 1 : index
    %get3A_299 = arith.constant 0 : index
    %get3A_300 = arith.constant 9 : index
    %get3A_301 = memref.load %arg1[%get3A_298, %get3A_299, %get3A_300] : memref<4x1x400xi32, #tpu.memory_space<smem>>
    %get3A_302 = arith.constant 1 : index
    %get3A_303 = arith.index_cast %get3A_301 : i32 to index
    %get3A_304 = arith.constant 0 : index
    %get3A_305 = vector.load %arg5[%get3A_302, %get3A_303, %get3A_304] : memref<4x400x2048xf32, #tpu.memory_space<vmem>>, vector<1x1x2048xf32>
    %get3A_306 = vector.shape_cast %get3A_305 : vector<1x1x2048xf32> to vector<1x2048xf32>
    %max3A_307 = arith.maximumf %max3A_297, %get3A_306 : vector<1x2048xf32>
    %convert_element_type3A_308 = arith.truncf %get3A_208 : vector<400x2048xf32> to vector<400x2048xbf16>
    %convert_element_type3A_309 = arith.extf %convert_element_type3A_308 : vector<400x2048xbf16> to vector<400x2048xf32>
    %convert_element_type3A_310 = arith.truncf %max3A_307 : vector<1x2048xf32> to vector<1x2048xbf16>
    %convert_element_type3A_311 = arith.extf %convert_element_type3A_310 : vector<1x2048xbf16> to vector<1x2048xf32>
    %mul3A_312 = vector.broadcast %convert_element_type3A_311 : vector<1x2048xf32> to vector<400x2048xf32>
    %mul3A_313 = arith.mulf %convert_element_type3A_309, %mul3A_312 : vector<400x2048xf32>
    %reduce_sum3A_314 = arith.constant dense<0.000000e+00> : vector<400xf32>
    %reduce_sum3A_315 = vector.multi_reduction <add>, %mul3A_313, %reduce_sum3A_314 [1] : vector<400x2048xf32> to vector<400xf32>
    %broadcast_in_dim3A_316 = vector.shape_cast %reduce_sum3A_315 : vector<400xf32> to vector<400x1xf32>
    %get3A_317 = arith.constant 1 : index
    %get3A_318 = arith.constant 0 : index
    %get3A_319 = arith.constant 0 : index
    %get3A_320 = vector.load %arg3[%get3A_317, %get3A_318, %get3A_319] : memref<4x1x400xf32, #tpu.memory_space<vmem>>, vector<1x1x400xf32>
    %get3A_321 = vector.shape_cast %get3A_320 : vector<1x1x400xf32> to vector<1x400xf32>
    %get3A_322 = arith.constant 1 : index
    %get3A_323 = arith.constant 0 : index
    %get3A_324 = arith.constant 0 : index
    %get3A_325 = vector.load %arg4[%get3A_322, %get3A_323, %get3A_324] : memref<4x1x400xi32, #tpu.memory_space<vmem>>, vector<1x1x400xi32>
    %get3A_326 = vector.shape_cast %get3A_325 : vector<1x1x400xi32> to vector<1x400xi32>
    %get3A_327 = arith.constant 1 : index
    %get3A_328 = arith.constant 0 : index
    %get3A_329 = arith.constant 0 : index
    %get3A_330 = vector.load %arg2[%get3A_327, %get3A_328, %get3A_329] : memref<4x1x400xi32, #tpu.memory_space<vmem>>, vector<1x1x400xi32>
    %get3A_331 = vector.shape_cast %get3A_330 : vector<1x1x400xi32> to vector<1x400xi32>
    %jit3A_332 = arith.constant 0.000000e+00 : f32
    %broadcast_in_dim3A_333 = vector.shape_cast %get3A_321 : vector<1x400xf32> to vector<1x400xf32>
    %broadcast_in_dim3A_334 = vector.broadcast %broadcast_in_dim3A_333 : vector<1x400xf32> to vector<400x400xf32>
    %broadcast_in_dim3A_335 = vector.broadcast %jit3A_332 : f32 to vector<400x400xf32>
    %select_n3A_336 = arith.select %eq3A, %broadcast_in_dim3A_334, %broadcast_in_dim3A_335 : vector<400x400xi1>, vector<400x400xf32>
    %reduce_sum3A_337 = arith.constant dense<0.000000e+00> : vector<400xf32>
    %reduce_sum3A_338 = vector.multi_reduction <add>, %select_n3A_336, %reduce_sum3A_337 [1] : vector<400x400xf32> to vector<400xf32>
    %broadcast_in_dim3A_339 = vector.shape_cast %reduce_sum3A_338 : vector<400xf32> to vector<400x1xf32>
    %gt3A_340 = vector.broadcast %get3A_321 : vector<1x400xf32> to vector<400x400xf32>
    %gt3A_341 = vector.broadcast %broadcast_in_dim3A_339 : vector<400x1xf32> to vector<400x400xf32>
    %gt3A_342 = arith.cmpf ogt, %gt3A_340, %gt3A_341 : vector<400x400xf32>
    %eq3A_343 = vector.broadcast %get3A_321 : vector<1x400xf32> to vector<400x400xf32>
    %eq3A_344 = vector.broadcast %broadcast_in_dim3A_339 : vector<400x1xf32> to vector<400x400xf32>
    %eq3A_345 = arith.cmpf oeq, %eq3A_343, %eq3A_344 : vector<400x400xf32>
    %and3A_346 = arith.andi %eq3A_345, %lt3A : vector<400x400xi1>
    %or3A_347 = arith.ori %gt3A_342, %and3A_346 : vector<400x400xi1>
    %convert_element_type3A_348 = arith.extui %or3A_347 : vector<400x400xi1> to vector<400x400xi32>
    %reduce_sum3A_349 = arith.constant dense<0> : vector<400xi32>
    %reduce_sum3A_350 = vector.multi_reduction <add>, %convert_element_type3A_348, %reduce_sum3A_349 [1] : vector<400x400xi32> to vector<400xi32>
    %broadcast_in_dim3A_351 = vector.shape_cast %reduce_sum3A_350 : vector<400xi32> to vector<400x1xi32>
    %eq3A_352 = vector.broadcast %broadcast_in_dim3A_351 : vector<400x1xi32> to vector<400x400xi32>
    %eq3A_353 = arith.cmpi eq, %eq3A_352, %iota3A : vector<400x400xi32>
    %jit3A_354 = arith.constant 0.000000e+00 : f32
    %broadcast_in_dim3A_355 = vector.shape_cast %broadcast_in_dim3A_339 : vector<400x1xf32> to vector<400x1xf32>
    %broadcast_in_dim3A_356 = vector.broadcast %broadcast_in_dim3A_355 : vector<400x1xf32> to vector<400x400xf32>
    %broadcast_in_dim3A_357 = vector.broadcast %jit3A_354 : f32 to vector<400x400xf32>
    %select_n3A_358 = arith.select %eq3A_353, %broadcast_in_dim3A_356, %broadcast_in_dim3A_357 : vector<400x400xi1>, vector<400x400xf32>
    %reduce_sum3A_359 = arith.constant dense<0.000000e+00> : vector<400xf32>
    %reduce_sum3A_360 = vector.multi_reduction <add>, %select_n3A_358, %reduce_sum3A_359 [0] : vector<400x400xf32> to vector<400xf32>
    %broadcast_in_dim3A_361 = vector.shape_cast %reduce_sum3A_360 : vector<400xf32> to vector<1x400xf32>
    %eq3A_362 = vector.broadcast %get3A_331 : vector<1x400xi32> to vector<400x400xi32>
    %eq3A_363 = arith.cmpi eq, %iota3A_0, %eq3A_362 : vector<400x400xi32>
    %jit3A_364 = arith.constant 0.000000e+00 : f32
    %broadcast_in_dim3A_365 = vector.shape_cast %broadcast_in_dim3A_316 : vector<400x1xf32> to vector<400x1xf32>
    %broadcast_in_dim3A_366 = vector.broadcast %broadcast_in_dim3A_365 : vector<400x1xf32> to vector<400x400xf32>
    %broadcast_in_dim3A_367 = vector.broadcast %jit3A_364 : f32 to vector<400x400xf32>
    %select_n3A_368 = arith.select %eq3A_363, %broadcast_in_dim3A_366, %broadcast_in_dim3A_367 : vector<400x400xi1>, vector<400x400xf32>
    %reduce_sum3A_369 = arith.constant dense<0.000000e+00> : vector<400xf32>
    %reduce_sum3A_370 = vector.multi_reduction <add>, %select_n3A_368, %reduce_sum3A_369 [0] : vector<400x400xf32> to vector<400xf32>
    %broadcast_in_dim3A_371 = vector.shape_cast %reduce_sum3A_370 : vector<400xf32> to vector<1x400xf32>
    %add3A_372 = arith.addf %broadcast_in_dim3A_361, %broadcast_in_dim3A_371 : vector<1x400xf32>
    %mul3A_373 = arith.constant 5.000000e-01 : f32
    %mul3A_374 = vector.broadcast %mul3A_373 : f32 to vector<1x400xf32>
    %mul3A_375 = arith.mulf %add3A_372, %mul3A_374 : vector<1x400xf32>
    %jit3A_376 = arith.constant 0.000000e+00 : f32
    %broadcast_in_dim3A_377 = vector.shape_cast %mul3A_375 : vector<1x400xf32> to vector<1x400xf32>
    %broadcast_in_dim3A_378 = vector.broadcast %broadcast_in_dim3A_377 : vector<1x400xf32> to vector<400x400xf32>
    %broadcast_in_dim3A_379 = vector.broadcast %jit3A_376 : f32 to vector<400x400xf32>
    %select_n3A_380 = arith.select %eq3A, %broadcast_in_dim3A_378, %broadcast_in_dim3A_379 : vector<400x400xi1>, vector<400x400xf32>
    %reduce_sum3A_381 = arith.constant dense<0.000000e+00> : vector<400xf32>
    %reduce_sum3A_382 = vector.multi_reduction <add>, %select_n3A_380, %reduce_sum3A_381 [1] : vector<400x400xf32> to vector<400xf32>
    %broadcast_in_dim3A_383 = vector.shape_cast %reduce_sum3A_382 : vector<400xf32> to vector<400x1xf32>
    %gt3A_384 = vector.broadcast %mul3A_375 : vector<1x400xf32> to vector<400x400xf32>
    %gt3A_385 = vector.broadcast %broadcast_in_dim3A_383 : vector<400x1xf32> to vector<400x400xf32>
    %gt3A_386 = arith.cmpf ogt, %gt3A_384, %gt3A_385 : vector<400x400xf32>
    %eq3A_387 = vector.broadcast %mul3A_375 : vector<1x400xf32> to vector<400x400xf32>
    %eq3A_388 = vector.broadcast %broadcast_in_dim3A_383 : vector<400x1xf32> to vector<400x400xf32>
    %eq3A_389 = arith.cmpf oeq, %eq3A_387, %eq3A_388 : vector<400x400xf32>
    %and3A_390 = arith.andi %eq3A_389, %lt3A : vector<400x400xi1>
    %or3A_391 = arith.ori %gt3A_386, %and3A_390 : vector<400x400xi1>
    %convert_element_type3A_392 = arith.extui %or3A_391 : vector<400x400xi1> to vector<400x400xi32>
    %reduce_sum3A_393 = arith.constant dense<0> : vector<400xi32>
    %reduce_sum3A_394 = vector.multi_reduction <add>, %convert_element_type3A_392, %reduce_sum3A_393 [1] : vector<400x400xi32> to vector<400xi32>
    %broadcast_in_dim3A_395 = vector.shape_cast %reduce_sum3A_394 : vector<400xi32> to vector<400x1xi32>
    %jit3A_396 = arith.constant 0 : i32
    %broadcast_in_dim3A_397 = vector.shape_cast %get3A_326 : vector<1x400xi32> to vector<1x400xi32>
    %broadcast_in_dim3A_398 = vector.broadcast %broadcast_in_dim3A_397 : vector<1x400xi32> to vector<400x400xi32>
    %broadcast_in_dim3A_399 = vector.broadcast %jit3A_396 : i32 to vector<400x400xi32>
    %select_n3A_400 = arith.select %eq3A, %broadcast_in_dim3A_398, %broadcast_in_dim3A_399 : vector<400x400xi1>, vector<400x400xi32>
    %reduce_sum3A_401 = arith.constant dense<0> : vector<400xi32>
    %reduce_sum3A_402 = vector.multi_reduction <add>, %select_n3A_400, %reduce_sum3A_401 [1] : vector<400x400xi32> to vector<400xi32>
    %broadcast_in_dim3A_403 = vector.shape_cast %reduce_sum3A_402 : vector<400xi32> to vector<400x1xi32>
    %eq3A_404 = vector.broadcast %broadcast_in_dim3A_395 : vector<400x1xi32> to vector<400x400xi32>
    %eq3A_405 = arith.cmpi eq, %eq3A_404, %iota3A : vector<400x400xi32>
    %jit3A_406 = arith.constant 0 : i32
    %broadcast_in_dim3A_407 = vector.shape_cast %broadcast_in_dim3A_403 : vector<400x1xi32> to vector<400x1xi32>
    %broadcast_in_dim3A_408 = vector.broadcast %broadcast_in_dim3A_407 : vector<400x1xi32> to vector<400x400xi32>
    %broadcast_in_dim3A_409 = vector.broadcast %jit3A_406 : i32 to vector<400x400xi32>
    %select_n3A_410 = arith.select %eq3A_405, %broadcast_in_dim3A_408, %broadcast_in_dim3A_409 : vector<400x400xi1>, vector<400x400xi32>
    %reduce_sum3A_411 = arith.constant dense<0> : vector<400xi32>
    %reduce_sum3A_412 = vector.multi_reduction <add>, %select_n3A_410, %reduce_sum3A_411 [0] : vector<400x400xi32> to vector<400xi32>
    %broadcast_in_dim3A_413 = vector.shape_cast %reduce_sum3A_412 : vector<400xi32> to vector<1x400xi32>
    %swap3A_414 = arith.constant 1 : index
    %swap3A_415 = arith.constant 0 : index
    %swap3A_416 = arith.constant 0 : index
    %swap3A_417 = vector.load %arg6[%swap3A_414, %swap3A_415, %swap3A_416] : memref<4x1x400xi32, #tpu.memory_space<vmem>>, vector<1x1x400xi32>
    %swap3A_418 = vector.shape_cast %swap3A_417 : vector<1x1x400xi32> to vector<1x400xi32>
    %swap3A_419 = vector.shape_cast %broadcast_in_dim3A_413 : vector<1x400xi32> to vector<1x1x400xi32>
    tpu.vector_store %arg6[%swap3A_414, %swap3A_415, %swap3A_416], %swap3A_419 {strides = array<i32>} : memref<4x1x400xi32, #tpu.memory_space<vmem>>, vector<1x1x400xi32>,
    %get3A_420 = arith.constant 2 : index
    %get3A_421 = arith.constant 0 : index
    %get3A_422 = arith.constant 0 : index
    %get3A_423 = vector.load %arg5[%get3A_420, %get3A_421, %get3A_422] : memref<4x400x2048xf32, #tpu.memory_space<vmem>>, vector<1x400x2048xf32>
    %get3A_424 = vector.shape_cast %get3A_423 : vector<1x400x2048xf32> to vector<400x2048xf32>
    %get3A_425 = arith.constant 2 : index
    %get3A_426 = arith.constant 0 : index
    %get3A_427 = arith.constant 0 : index
    %get3A_428 = memref.load %arg1[%get3A_425, %get3A_426, %get3A_427] : memref<4x1x400xi32, #tpu.memory_space<smem>>
    %get3A_429 = arith.constant 2 : index
    %get3A_430 = arith.index_cast %get3A_428 : i32 to index
    %get3A_431 = arith.constant 0 : index
    %get3A_432 = vector.load %arg5[%get3A_429, %get3A_430, %get3A_431] : memref<4x400x2048xf32, #tpu.memory_space<vmem>>, vector<1x1x2048xf32>
    %get3A_433 = vector.shape_cast %get3A_432 : vector<1x1x2048xf32> to vector<1x2048xf32>
    %get3A_434 = arith.constant 2 : index
    %get3A_435 = arith.constant 0 : index
    %get3A_436 = arith.constant 1 : index
    %get3A_437 = memref.load %arg1[%get3A_434, %get3A_435, %get3A_436] : memref<4x1x400xi32, #tpu.memory_space<smem>>
    %get3A_438 = arith.constant 2 : index
    %get3A_439 = arith.index_cast %get3A_437 : i32 to index
    %get3A_440 = arith.constant 0 : index
    %get3A_441 = vector.load %arg5[%get3A_438, %get3A_439, %get3A_440] : memref<4x400x2048xf32, #tpu.memory_space<vmem>>, vector<1x1x2048xf32>
    %get3A_442 = vector.shape_cast %get3A_441 : vector<1x1x2048xf32> to vector<1x2048xf32>
    %max3A_443 = arith.maximumf %get3A_433, %get3A_442 : vector<1x2048xf32>
    %get3A_444 = arith.constant 2 : index
    %get3A_445 = arith.constant 0 : index
    %get3A_446 = arith.constant 2 : index
    %get3A_447 = memref.load %arg1[%get3A_444, %get3A_445, %get3A_446] : memref<4x1x400xi32, #tpu.memory_space<smem>>
    %get3A_448 = arith.constant 2 : index
    %get3A_449 = arith.index_cast %get3A_447 : i32 to index
    %get3A_450 = arith.constant 0 : index
    %get3A_451 = vector.load %arg5[%get3A_448, %get3A_449, %get3A_450] : memref<4x400x2048xf32, #tpu.memory_space<vmem>>, vector<1x1x2048xf32>
    %get3A_452 = vector.shape_cast %get3A_451 : vector<1x1x2048xf32> to vector<1x2048xf32>
    %max3A_453 = arith.maximumf %max3A_443, %get3A_452 : vector<1x2048xf32>
    %get3A_454 = arith.constant 2 : index
    %get3A_455 = arith.constant 0 : index
    %get3A_456 = arith.constant 3 : index
    %get3A_457 = memref.load %arg1[%get3A_454, %get3A_455, %get3A_456] : memref<4x1x400xi32, #tpu.memory_space<smem>>
    %get3A_458 = arith.constant 2 : index
    %get3A_459 = arith.index_cast %get3A_457 : i32 to index
    %get3A_460 = arith.constant 0 : index
    %get3A_461 = vector.load %arg5[%get3A_458, %get3A_459, %get3A_460] : memref<4x400x2048xf32, #tpu.memory_space<vmem>>, vector<1x1x2048xf32>
    %get3A_462 = vector.shape_cast %get3A_461 : vector<1x1x2048xf32> to vector<1x2048xf32>
    %max3A_463 = arith.maximumf %max3A_453, %get3A_462 : vector<1x2048xf32>
    %get3A_464 = arith.constant 2 : index
    %get3A_465 = arith.constant 0 : index
    %get3A_466 = arith.constant 4 : index
    %get3A_467 = memref.load %arg1[%get3A_464, %get3A_465, %get3A_466] : memref<4x1x400xi32, #tpu.memory_space<smem>>
    %get3A_468 = arith.constant 2 : index
    %get3A_469 = arith.index_cast %get3A_467 : i32 to index
    %get3A_470 = arith.constant 0 : index
    %get3A_471 = vector.load %arg5[%get3A_468, %get3A_469, %get3A_470] : memref<4x400x2048xf32, #tpu.memory_space<vmem>>, vector<1x1x2048xf32>
    %get3A_472 = vector.shape_cast %get3A_471 : vector<1x1x2048xf32> to vector<1x2048xf32>
    %max3A_473 = arith.maximumf %max3A_463, %get3A_472 : vector<1x2048xf32>
    %get3A_474 = arith.constant 2 : index
    %get3A_475 = arith.constant 0 : index
    %get3A_476 = arith.constant 5 : index
    %get3A_477 = memref.load %arg1[%get3A_474, %get3A_475, %get3A_476] : memref<4x1x400xi32, #tpu.memory_space<smem>>
    %get3A_478 = arith.constant 2 : index
    %get3A_479 = arith.index_cast %get3A_477 : i32 to index
    %get3A_480 = arith.constant 0 : index
    %get3A_481 = vector.load %arg5[%get3A_478, %get3A_479, %get3A_480] : memref<4x400x2048xf32, #tpu.memory_space<vmem>>, vector<1x1x2048xf32>
    %get3A_482 = vector.shape_cast %get3A_481 : vector<1x1x2048xf32> to vector<1x2048xf32>
    %max3A_483 = arith.maximumf %max3A_473, %get3A_482 : vector<1x2048xf32>
    %get3A_484 = arith.constant 2 : index
    %get3A_485 = arith.constant 0 : index
    %get3A_486 = arith.constant 6 : index
    %get3A_487 = memref.load %arg1[%get3A_484, %get3A_485, %get3A_486] : memref<4x1x400xi32, #tpu.memory_space<smem>>
    %get3A_488 = arith.constant 2 : index
    %get3A_489 = arith.index_cast %get3A_487 : i32 to index
    %get3A_490 = arith.constant 0 : index
    %get3A_491 = vector.load %arg5[%get3A_488, %get3A_489, %get3A_490] : memref<4x400x2048xf32, #tpu.memory_space<vmem>>, vector<1x1x2048xf32>
    %get3A_492 = vector.shape_cast %get3A_491 : vector<1x1x2048xf32> to vector<1x2048xf32>
    %max3A_493 = arith.maximumf %max3A_483, %get3A_492 : vector<1x2048xf32>
    %get3A_494 = arith.constant 2 : index
    %get3A_495 = arith.constant 0 : index
    %get3A_496 = arith.constant 7 : index
    %get3A_497 = memref.load %arg1[%get3A_494, %get3A_495, %get3A_496] : memref<4x1x400xi32, #tpu.memory_space<smem>>
    %get3A_498 = arith.constant 2 : index
    %get3A_499 = arith.index_cast %get3A_497 : i32 to index
    %get3A_500 = arith.constant 0 : index
    %get3A_501 = vector.load %arg5[%get3A_498, %get3A_499, %get3A_500] : memref<4x400x2048xf32, #tpu.memory_space<vmem>>, vector<1x1x2048xf32>
    %get3A_502 = vector.shape_cast %get3A_501 : vector<1x1x2048xf32> to vector<1x2048xf32>
    %max3A_503 = arith.maximumf %max3A_493, %get3A_502 : vector<1x2048xf32>
    %get3A_504 = arith.constant 2 : index
    %get3A_505 = arith.constant 0 : index
    %get3A_506 = arith.constant 8 : index
    %get3A_507 = memref.load %arg1[%get3A_504, %get3A_505, %get3A_506] : memref<4x1x400xi32, #tpu.memory_space<smem>>
    %get3A_508 = arith.constant 2 : index
    %get3A_509 = arith.index_cast %get3A_507 : i32 to index
    %get3A_510 = arith.constant 0 : index
    %get3A_511 = vector.load %arg5[%get3A_508, %get3A_509, %get3A_510] : memref<4x400x2048xf32, #tpu.memory_space<vmem>>, vector<1x1x2048xf32>
    %get3A_512 = vector.shape_cast %get3A_511 : vector<1x1x2048xf32> to vector<1x2048xf32>
    %max3A_513 = arith.maximumf %max3A_503, %get3A_512 : vector<1x2048xf32>
    %get3A_514 = arith.constant 2 : index
    %get3A_515 = arith.constant 0 : index
    %get3A_516 = arith.constant 9 : index
    %get3A_517 = memref.load %arg1[%get3A_514, %get3A_515, %get3A_516] : memref<4x1x400xi32, #tpu.memory_space<smem>>
    %get3A_518 = arith.constant 2 : index
    %get3A_519 = arith.index_cast %get3A_517 : i32 to index
    %get3A_520 = arith.constant 0 : index
    %get3A_521 = vector.load %arg5[%get3A_518, %get3A_519, %get3A_520] : memref<4x400x2048xf32, #tpu.memory_space<vmem>>, vector<1x1x2048xf32>
    %get3A_522 = vector.shape_cast %get3A_521 : vector<1x1x2048xf32> to vector<1x2048xf32>
    %max3A_523 = arith.maximumf %max3A_513, %get3A_522 : vector<1x2048xf32>
    %convert_element_type3A_524 = arith.truncf %get3A_424 : vector<400x2048xf32> to vector<400x2048xbf16>
    %convert_element_type3A_525 = arith.extf %convert_element_type3A_524 : vector<400x2048xbf16> to vector<400x2048xf32>
    %convert_element_type3A_526 = arith.truncf %max3A_523 : vector<1x2048xf32> to vector<1x2048xbf16>
    %convert_element_type3A_527 = arith.extf %convert_element_type3A_526 : vector<1x2048xbf16> to vector<1x2048xf32>
    %mul3A_528 = vector.broadcast %convert_element_type3A_527 : vector<1x2048xf32> to vector<400x2048xf32>
    %mul3A_529 = arith.mulf %convert_element_type3A_525, %mul3A_528 : vector<400x2048xf32>
    %reduce_sum3A_530 = arith.constant dense<0.000000e+00> : vector<400xf32>
    %reduce_sum3A_531 = vector.multi_reduction <add>, %mul3A_529, %reduce_sum3A_530 [1] : vector<400x2048xf32> to vector<400xf32>
    %broadcast_in_dim3A_532 = vector.shape_cast %reduce_sum3A_531 : vector<400xf32> to vector<400x1xf32>
    %get3A_533 = arith.constant 2 : index
    %get3A_534 = arith.constant 0 : index
    %get3A_535 = arith.constant 0 : index
    %get3A_536 = vector.load %arg3[%get3A_533, %get3A_534, %get3A_535] : memref<4x1x400xf32, #tpu.memory_space<vmem>>, vector<1x1x400xf32>
    %get3A_537 = vector.shape_cast %get3A_536 : vector<1x1x400xf32> to vector<1x400xf32>
    %get3A_538 = arith.constant 2 : index
    %get3A_539 = arith.constant 0 : index
    %get3A_540 = arith.constant 0 : index
    %get3A_541 = vector.load %arg4[%get3A_538, %get3A_539, %get3A_540] : memref<4x1x400xi32, #tpu.memory_space<vmem>>, vector<1x1x400xi32>
    %get3A_542 = vector.shape_cast %get3A_541 : vector<1x1x400xi32> to vector<1x400xi32>
    %get3A_543 = arith.constant 2 : index
    %get3A_544 = arith.constant 0 : index
    %get3A_545 = arith.constant 0 : index
    %get3A_546 = vector.load %arg2[%get3A_543, %get3A_544, %get3A_545] : memref<4x1x400xi32, #tpu.memory_space<vmem>>, vector<1x1x400xi32>
    %get3A_547 = vector.shape_cast %get3A_546 : vector<1x1x400xi32> to vector<1x400xi32>
    %jit3A_548 = arith.constant 0.000000e+00 : f32
    %broadcast_in_dim3A_549 = vector.shape_cast %get3A_537 : vector<1x400xf32> to vector<1x400xf32>
    %broadcast_in_dim3A_550 = vector.broadcast %broadcast_in_dim3A_549 : vector<1x400xf32> to vector<400x400xf32>
    %broadcast_in_dim3A_551 = vector.broadcast %jit3A_548 : f32 to vector<400x400xf32>
    %select_n3A_552 = arith.select %eq3A, %broadcast_in_dim3A_550, %broadcast_in_dim3A_551 : vector<400x400xi1>, vector<400x400xf32>
    %reduce_sum3A_553 = arith.constant dense<0.000000e+00> : vector<400xf32>
    %reduce_sum3A_554 = vector.multi_reduction <add>, %select_n3A_552, %reduce_sum3A_553 [1] : vector<400x400xf32> to vector<400xf32>
    %broadcast_in_dim3A_555 = vector.shape_cast %reduce_sum3A_554 : vector<400xf32> to vector<400x1xf32>
    %gt3A_556 = vector.broadcast %get3A_537 : vector<1x400xf32> to vector<400x400xf32>
    %gt3A_557 = vector.broadcast %broadcast_in_dim3A_555 : vector<400x1xf32> to vector<400x400xf32>
    %gt3A_558 = arith.cmpf ogt, %gt3A_556, %gt3A_557 : vector<400x400xf32>
    %eq3A_559 = vector.broadcast %get3A_537 : vector<1x400xf32> to vector<400x400xf32>
    %eq3A_560 = vector.broadcast %broadcast_in_dim3A_555 : vector<400x1xf32> to vector<400x400xf32>
    %eq3A_561 = arith.cmpf oeq, %eq3A_559, %eq3A_560 : vector<400x400xf32>
    %and3A_562 = arith.andi %eq3A_561, %lt3A : vector<400x400xi1>
    %or3A_563 = arith.ori %gt3A_558, %and3A_562 : vector<400x400xi1>
    %convert_element_type3A_564 = arith.extui %or3A_563 : vector<400x400xi1> to vector<400x400xi32>
    %reduce_sum3A_565 = arith.constant dense<0> : vector<400xi32>
    %reduce_sum3A_566 = vector.multi_reduction <add>, %convert_element_type3A_564, %reduce_sum3A_565 [1] : vector<400x400xi32> to vector<400xi32>
    %broadcast_in_dim3A_567 = vector.shape_cast %reduce_sum3A_566 : vector<400xi32> to vector<400x1xi32>
    %eq3A_568 = vector.broadcast %broadcast_in_dim3A_567 : vector<400x1xi32> to vector<400x400xi32>
    %eq3A_569 = arith.cmpi eq, %eq3A_568, %iota3A : vector<400x400xi32>
    %jit3A_570 = arith.constant 0.000000e+00 : f32
    %broadcast_in_dim3A_571 = vector.shape_cast %broadcast_in_dim3A_555 : vector<400x1xf32> to vector<400x1xf32>
    %broadcast_in_dim3A_572 = vector.broadcast %broadcast_in_dim3A_571 : vector<400x1xf32> to vector<400x400xf32>
    %broadcast_in_dim3A_573 = vector.broadcast %jit3A_570 : f32 to vector<400x400xf32>
    %select_n3A_574 = arith.select %eq3A_569, %broadcast_in_dim3A_572, %broadcast_in_dim3A_573 : vector<400x400xi1>, vector<400x400xf32>
    %reduce_sum3A_575 = arith.constant dense<0.000000e+00> : vector<400xf32>
    %reduce_sum3A_576 = vector.multi_reduction <add>, %select_n3A_574, %reduce_sum3A_575 [0] : vector<400x400xf32> to vector<400xf32>
    %broadcast_in_dim3A_577 = vector.shape_cast %reduce_sum3A_576 : vector<400xf32> to vector<1x400xf32>
    %eq3A_578 = vector.broadcast %get3A_547 : vector<1x400xi32> to vector<400x400xi32>
    %eq3A_579 = arith.cmpi eq, %iota3A_0, %eq3A_578 : vector<400x400xi32>
    %jit3A_580 = arith.constant 0.000000e+00 : f32
    %broadcast_in_dim3A_581 = vector.shape_cast %broadcast_in_dim3A_532 : vector<400x1xf32> to vector<400x1xf32>
    %broadcast_in_dim3A_582 = vector.broadcast %broadcast_in_dim3A_581 : vector<400x1xf32> to vector<400x400xf32>
    %broadcast_in_dim3A_583 = vector.broadcast %jit3A_580 : f32 to vector<400x400xf32>
    %select_n3A_584 = arith.select %eq3A_579, %broadcast_in_dim3A_582, %broadcast_in_dim3A_583 : vector<400x400xi1>, vector<400x400xf32>
    %reduce_sum3A_585 = arith.constant dense<0.000000e+00> : vector<400xf32>
    %reduce_sum3A_586 = vector.multi_reduction <add>, %select_n3A_584, %reduce_sum3A_585 [0] : vector<400x400xf32> to vector<400xf32>
    %broadcast_in_dim3A_587 = vector.shape_cast %reduce_sum3A_586 : vector<400xf32> to vector<1x400xf32>
    %add3A_588 = arith.addf %broadcast_in_dim3A_577, %broadcast_in_dim3A_587 : vector<1x400xf32>
    %mul3A_589 = arith.constant 5.000000e-01 : f32
    %mul3A_590 = vector.broadcast %mul3A_589 : f32 to vector<1x400xf32>
    %mul3A_591 = arith.mulf %add3A_588, %mul3A_590 : vector<1x400xf32>
    %jit3A_592 = arith.constant 0.000000e+00 : f32
    %broadcast_in_dim3A_593 = vector.shape_cast %mul3A_591 : vector<1x400xf32> to vector<1x400xf32>
    %broadcast_in_dim3A_594 = vector.broadcast %broadcast_in_dim3A_593 : vector<1x400xf32> to vector<400x400xf32>
    %broadcast_in_dim3A_595 = vector.broadcast %jit3A_592 : f32 to vector<400x400xf32>
    %select_n3A_596 = arith.select %eq3A, %broadcast_in_dim3A_594, %broadcast_in_dim3A_595 : vector<400x400xi1>, vector<400x400xf32>
    %reduce_sum3A_597 = arith.constant dense<0.000000e+00> : vector<400xf32>
    %reduce_sum3A_598 = vector.multi_reduction <add>, %select_n3A_596, %reduce_sum3A_597 [1] : vector<400x400xf32> to vector<400xf32>
    %broadcast_in_dim3A_599 = vector.shape_cast %reduce_sum3A_598 : vector<400xf32> to vector<400x1xf32>
    %gt3A_600 = vector.broadcast %mul3A_591 : vector<1x400xf32> to vector<400x400xf32>
    %gt3A_601 = vector.broadcast %broadcast_in_dim3A_599 : vector<400x1xf32> to vector<400x400xf32>
    %gt3A_602 = arith.cmpf ogt, %gt3A_600, %gt3A_601 : vector<400x400xf32>
    %eq3A_603 = vector.broadcast %mul3A_591 : vector<1x400xf32> to vector<400x400xf32>
    %eq3A_604 = vector.broadcast %broadcast_in_dim3A_599 : vector<400x1xf32> to vector<400x400xf32>
    %eq3A_605 = arith.cmpf oeq, %eq3A_603, %eq3A_604 : vector<400x400xf32>
    %and3A_606 = arith.andi %eq3A_605, %lt3A : vector<400x400xi1>
    %or3A_607 = arith.ori %gt3A_602, %and3A_606 : vector<400x400xi1>
    %convert_element_type3A_608 = arith.extui %or3A_607 : vector<400x400xi1> to vector<400x400xi32>
    %reduce_sum3A_609 = arith.constant dense<0> : vector<400xi32>
    %reduce_sum3A_610 = vector.multi_reduction <add>, %convert_element_type3A_608, %reduce_sum3A_609 [1] : vector<400x400xi32> to vector<400xi32>
    %broadcast_in_dim3A_611 = vector.shape_cast %reduce_sum3A_610 : vector<400xi32> to vector<400x1xi32>
    %jit3A_612 = arith.constant 0 : i32
    %broadcast_in_dim3A_613 = vector.shape_cast %get3A_542 : vector<1x400xi32> to vector<1x400xi32>
    %broadcast_in_dim3A_614 = vector.broadcast %broadcast_in_dim3A_613 : vector<1x400xi32> to vector<400x400xi32>
    %broadcast_in_dim3A_615 = vector.broadcast %jit3A_612 : i32 to vector<400x400xi32>
    %select_n3A_616 = arith.select %eq3A, %broadcast_in_dim3A_614, %broadcast_in_dim3A_615 : vector<400x400xi1>, vector<400x400xi32>
    %reduce_sum3A_617 = arith.constant dense<0> : vector<400xi32>
    %reduce_sum3A_618 = vector.multi_reduction <add>, %select_n3A_616, %reduce_sum3A_617 [1] : vector<400x400xi32> to vector<400xi32>
    %broadcast_in_dim3A_619 = vector.shape_cast %reduce_sum3A_618 : vector<400xi32> to vector<400x1xi32>
    %eq3A_620 = vector.broadcast %broadcast_in_dim3A_611 : vector<400x1xi32> to vector<400x400xi32>
    %eq3A_621 = arith.cmpi eq, %eq3A_620, %iota3A : vector<400x400xi32>
    %jit3A_622 = arith.constant 0 : i32
    %broadcast_in_dim3A_623 = vector.shape_cast %broadcast_in_dim3A_619 : vector<400x1xi32> to vector<400x1xi32>
    %broadcast_in_dim3A_624 = vector.broadcast %broadcast_in_dim3A_623 : vector<400x1xi32> to vector<400x400xi32>
    %broadcast_in_dim3A_625 = vector.broadcast %jit3A_622 : i32 to vector<400x400xi32>
    %select_n3A_626 = arith.select %eq3A_621, %broadcast_in_dim3A_624, %broadcast_in_dim3A_625 : vector<400x400xi1>, vector<400x400xi32>
    %reduce_sum3A_627 = arith.constant dense<0> : vector<400xi32>
    %reduce_sum3A_628 = vector.multi_reduction <add>, %select_n3A_626, %reduce_sum3A_627 [0] : vector<400x400xi32> to vector<400xi32>
    %broadcast_in_dim3A_629 = vector.shape_cast %reduce_sum3A_628 : vector<400xi32> to vector<1x400xi32>
    %swap3A_630 = arith.constant 2 : index
    %swap3A_631 = arith.constant 0 : index
    %swap3A_632 = arith.constant 0 : index
    %swap3A_633 = vector.load %arg6[%swap3A_630, %swap3A_631, %swap3A_632] : memref<4x1x400xi32, #tpu.memory_space<vmem>>, vector<1x1x400xi32>
    %swap3A_634 = vector.shape_cast %swap3A_633 : vector<1x1x400xi32> to vector<1x400xi32>
    %swap3A_635 = vector.shape_cast %broadcast_in_dim3A_629 : vector<1x400xi32> to vector<1x1x400xi32>
    tpu.vector_store %arg6[%swap3A_630, %swap3A_631, %swap3A_632], %swap3A_635 {strides = array<i32>} : memref<4x1x400xi32, #tpu.memory_space<vmem>>, vector<1x1x400xi32>,
    %get3A_636 = arith.constant 3 : index
    %get3A_637 = arith.constant 0 : index
    %get3A_638 = arith.constant 0 : index
    %get3A_639 = vector.load %arg5[%get3A_636, %get3A_637, %get3A_638] : memref<4x400x2048xf32, #tpu.memory_space<vmem>>, vector<1x400x2048xf32>
    %get3A_640 = vector.shape_cast %get3A_639 : vector<1x400x2048xf32> to vector<400x2048xf32>
    %get3A_641 = arith.constant 3 : index
    %get3A_642 = arith.constant 0 : index
    %get3A_643 = arith.constant 0 : index
    %get3A_644 = memref.load %arg1[%get3A_641, %get3A_642, %get3A_643] : memref<4x1x400xi32, #tpu.memory_space<smem>>
    %get3A_645 = arith.constant 3 : index
    %get3A_646 = arith.index_cast %get3A_644 : i32 to index
    %get3A_647 = arith.constant 0 : index
    %get3A_648 = vector.load %arg5[%get3A_645, %get3A_646, %get3A_647] : memref<4x400x2048xf32, #tpu.memory_space<vmem>>, vector<1x1x2048xf32>
    %get3A_649 = vector.shape_cast %get3A_648 : vector<1x1x2048xf32> to vector<1x2048xf32>
    %get3A_650 = arith.constant 3 : index
    %get3A_651 = arith.constant 0 : index
    %get3A_652 = arith.constant 1 : index
    %get3A_653 = memref.load %arg1[%get3A_650, %get3A_651, %get3A_652] : memref<4x1x400xi32, #tpu.memory_space<smem>>
    %get3A_654 = arith.constant 3 : index
    %get3A_655 = arith.index_cast %get3A_653 : i32 to index
    %get3A_656 = arith.constant 0 : index
    %get3A_657 = vector.load %arg5[%get3A_654, %get3A_655, %get3A_656] : memref<4x400x2048xf32, #tpu.memory_space<vmem>>, vector<1x1x2048xf32>
    %get3A_658 = vector.shape_cast %get3A_657 : vector<1x1x2048xf32> to vector<1x2048xf32>
    %max3A_659 = arith.maximumf %get3A_649, %get3A_658 : vector<1x2048xf32>
    %get3A_660 = arith.constant 3 : index
    %get3A_661 = arith.constant 0 : index
    %get3A_662 = arith.constant 2 : index
    %get3A_663 = memref.load %arg1[%get3A_660, %get3A_661, %get3A_662] : memref<4x1x400xi32, #tpu.memory_space<smem>>
    %get3A_664 = arith.constant 3 : index
    %get3A_665 = arith.index_cast %get3A_663 : i32 to index
    %get3A_666 = arith.constant 0 : index
    %get3A_667 = vector.load %arg5[%get3A_664, %get3A_665, %get3A_666] : memref<4x400x2048xf32, #tpu.memory_space<vmem>>, vector<1x1x2048xf32>
    %get3A_668 = vector.shape_cast %get3A_667 : vector<1x1x2048xf32> to vector<1x2048xf32>
    %max3A_669 = arith.maximumf %max3A_659, %get3A_668 : vector<1x2048xf32>
    %get3A_670 = arith.constant 3 : index
    %get3A_671 = arith.constant 0 : index
    %get3A_672 = arith.constant 3 : index
    %get3A_673 = memref.load %arg1[%get3A_670, %get3A_671, %get3A_672] : memref<4x1x400xi32, #tpu.memory_space<smem>>
    %get3A_674 = arith.constant 3 : index
    %get3A_675 = arith.index_cast %get3A_673 : i32 to index
    %get3A_676 = arith.constant 0 : index
    %get3A_677 = vector.load %arg5[%get3A_674, %get3A_675, %get3A_676] : memref<4x400x2048xf32, #tpu.memory_space<vmem>>, vector<1x1x2048xf32>
    %get3A_678 = vector.shape_cast %get3A_677 : vector<1x1x2048xf32> to vector<1x2048xf32>
    %max3A_679 = arith.maximumf %max3A_669, %get3A_678 : vector<1x2048xf32>
    %get3A_680 = arith.constant 3 : index
    %get3A_681 = arith.constant 0 : index
    %get3A_682 = arith.constant 4 : index
    %get3A_683 = memref.load %arg1[%get3A_680, %get3A_681, %get3A_682] : memref<4x1x400xi32, #tpu.memory_space<smem>>
    %get3A_684 = arith.constant 3 : index
    %get3A_685 = arith.index_cast %get3A_683 : i32 to index
    %get3A_686 = arith.constant 0 : index
    %get3A_687 = vector.load %arg5[%get3A_684, %get3A_685, %get3A_686] : memref<4x400x2048xf32, #tpu.memory_space<vmem>>, vector<1x1x2048xf32>
    %get3A_688 = vector.shape_cast %get3A_687 : vector<1x1x2048xf32> to vector<1x2048xf32>
    %max3A_689 = arith.maximumf %max3A_679, %get3A_688 : vector<1x2048xf32>
    %get3A_690 = arith.constant 3 : index
    %get3A_691 = arith.constant 0 : index
    %get3A_692 = arith.constant 5 : index
    %get3A_693 = memref.load %arg1[%get3A_690, %get3A_691, %get3A_692] : memref<4x1x400xi32, #tpu.memory_space<smem>>
    %get3A_694 = arith.constant 3 : index
    %get3A_695 = arith.index_cast %get3A_693 : i32 to index
    %get3A_696 = arith.constant 0 : index
    %get3A_697 = vector.load %arg5[%get3A_694, %get3A_695, %get3A_696] : memref<4x400x2048xf32, #tpu.memory_space<vmem>>, vector<1x1x2048xf32>
    %get3A_698 = vector.shape_cast %get3A_697 : vector<1x1x2048xf32> to vector<1x2048xf32>
    %max3A_699 = arith.maximumf %max3A_689, %get3A_698 : vector<1x2048xf32>
    %get3A_700 = arith.constant 3 : index
    %get3A_701 = arith.constant 0 : index
    %get3A_702 = arith.constant 6 : index
    %get3A_703 = memref.load %arg1[%get3A_700, %get3A_701, %get3A_702] : memref<4x1x400xi32, #tpu.memory_space<smem>>
    %get3A_704 = arith.constant 3 : index
    %get3A_705 = arith.index_cast %get3A_703 : i32 to index
    %get3A_706 = arith.constant 0 : index
    %get3A_707 = vector.load %arg5[%get3A_704, %get3A_705, %get3A_706] : memref<4x400x2048xf32, #tpu.memory_space<vmem>>, vector<1x1x2048xf32>
    %get3A_708 = vector.shape_cast %get3A_707 : vector<1x1x2048xf32> to vector<1x2048xf32>
    %max3A_709 = arith.maximumf %max3A_699, %get3A_708 : vector<1x2048xf32>
    %get3A_710 = arith.constant 3 : index
    %get3A_711 = arith.constant 0 : index
    %get3A_712 = arith.constant 7 : index
    %get3A_713 = memref.load %arg1[%get3A_710, %get3A_711, %get3A_712] : memref<4x1x400xi32, #tpu.memory_space<smem>>
    %get3A_714 = arith.constant 3 : index
    %get3A_715 = arith.index_cast %get3A_713 : i32 to index
    %get3A_716 = arith.constant 0 : index
    %get3A_717 = vector.load %arg5[%get3A_714, %get3A_715, %get3A_716] : memref<4x400x2048xf32, #tpu.memory_space<vmem>>, vector<1x1x2048xf32>
    %get3A_718 = vector.shape_cast %get3A_717 : vector<1x1x2048xf32> to vector<1x2048xf32>
    %max3A_719 = arith.maximumf %max3A_709, %get3A_718 : vector<1x2048xf32>
    %get3A_720 = arith.constant 3 : index
    %get3A_721 = arith.constant 0 : index
    %get3A_722 = arith.constant 8 : index
    %get3A_723 = memref.load %arg1[%get3A_720, %get3A_721, %get3A_722] : memref<4x1x400xi32, #tpu.memory_space<smem>>
    %get3A_724 = arith.constant 3 : index
    %get3A_725 = arith.index_cast %get3A_723 : i32 to index
    %get3A_726 = arith.constant 0 : index
    %get3A_727 = vector.load %arg5[%get3A_724, %get3A_725, %get3A_726] : memref<4x400x2048xf32, #tpu.memory_space<vmem>>, vector<1x1x2048xf32>
    %get3A_728 = vector.shape_cast %get3A_727 : vector<1x1x2048xf32> to vector<1x2048xf32>
    %max3A_729 = arith.maximumf %max3A_719, %get3A_728 : vector<1x2048xf32>
    %get3A_730 = arith.constant 3 : index
    %get3A_731 = arith.constant 0 : index
    %get3A_732 = arith.constant 9 : index
    %get3A_733 = memref.load %arg1[%get3A_730, %get3A_731, %get3A_732] : memref<4x1x400xi32, #tpu.memory_space<smem>>
    %get3A_734 = arith.constant 3 : index
    %get3A_735 = arith.index_cast %get3A_733 : i32 to index
    %get3A_736 = arith.constant 0 : index
    %get3A_737 = vector.load %arg5[%get3A_734, %get3A_735, %get3A_736] : memref<4x400x2048xf32, #tpu.memory_space<vmem>>, vector<1x1x2048xf32>
    %get3A_738 = vector.shape_cast %get3A_737 : vector<1x1x2048xf32> to vector<1x2048xf32>
    %max3A_739 = arith.maximumf %max3A_729, %get3A_738 : vector<1x2048xf32>
    %convert_element_type3A_740 = arith.truncf %get3A_640 : vector<400x2048xf32> to vector<400x2048xbf16>
    %convert_element_type3A_741 = arith.extf %convert_element_type3A_740 : vector<400x2048xbf16> to vector<400x2048xf32>
    %convert_element_type3A_742 = arith.truncf %max3A_739 : vector<1x2048xf32> to vector<1x2048xbf16>
    %convert_element_type3A_743 = arith.extf %convert_element_type3A_742 : vector<1x2048xbf16> to vector<1x2048xf32>
    %mul3A_744 = vector.broadcast %convert_element_type3A_743 : vector<1x2048xf32> to vector<400x2048xf32>
    %mul3A_745 = arith.mulf %convert_element_type3A_741, %mul3A_744 : vector<400x2048xf32>
    %reduce_sum3A_746 = arith.constant dense<0.000000e+00> : vector<400xf32>
    %reduce_sum3A_747 = vector.multi_reduction <add>, %mul3A_745, %reduce_sum3A_746 [1] : vector<400x2048xf32> to vector<400xf32>
    %broadcast_in_dim3A_748 = vector.shape_cast %reduce_sum3A_747 : vector<400xf32> to vector<400x1xf32>
    %get3A_749 = arith.constant 3 : index
    %get3A_750 = arith.constant 0 : index
    %get3A_751 = arith.constant 0 : index
    %get3A_752 = vector.load %arg3[%get3A_749, %get3A_750, %get3A_751] : memref<4x1x400xf32, #tpu.memory_space<vmem>>, vector<1x1x400xf32>
    %get3A_753 = vector.shape_cast %get3A_752 : vector<1x1x400xf32> to vector<1x400xf32>
    %get3A_754 = arith.constant 3 : index
    %get3A_755 = arith.constant 0 : index
    %get3A_756 = arith.constant 0 : index
    %get3A_757 = vector.load %arg4[%get3A_754, %get3A_755, %get3A_756] : memref<4x1x400xi32, #tpu.memory_space<vmem>>, vector<1x1x400xi32>
    %get3A_758 = vector.shape_cast %get3A_757 : vector<1x1x400xi32> to vector<1x400xi32>
    %get3A_759 = arith.constant 3 : index
    %get3A_760 = arith.constant 0 : index
    %get3A_761 = arith.constant 0 : index
    %get3A_762 = vector.load %arg2[%get3A_759, %get3A_760, %get3A_761] : memref<4x1x400xi32, #tpu.memory_space<vmem>>, vector<1x1x400xi32>
    %get3A_763 = vector.shape_cast %get3A_762 : vector<1x1x400xi32> to vector<1x400xi32>
    %jit3A_764 = arith.constant 0.000000e+00 : f32
    %broadcast_in_dim3A_765 = vector.shape_cast %get3A_753 : vector<1x400xf32> to vector<1x400xf32>
    %broadcast_in_dim3A_766 = vector.broadcast %broadcast_in_dim3A_765 : vector<1x400xf32> to vector<400x400xf32>
    %broadcast_in_dim3A_767 = vector.broadcast %jit3A_764 : f32 to vector<400x400xf32>
    %select_n3A_768 = arith.select %eq3A, %broadcast_in_dim3A_766, %broadcast_in_dim3A_767 : vector<400x400xi1>, vector<400x400xf32>
    %reduce_sum3A_769 = arith.constant dense<0.000000e+00> : vector<400xf32>
    %reduce_sum3A_770 = vector.multi_reduction <add>, %select_n3A_768, %reduce_sum3A_769 [1] : vector<400x400xf32> to vector<400xf32>
    %broadcast_in_dim3A_771 = vector.shape_cast %reduce_sum3A_770 : vector<400xf32> to vector<400x1xf32>
    %gt3A_772 = vector.broadcast %get3A_753 : vector<1x400xf32> to vector<400x400xf32>
    %gt3A_773 = vector.broadcast %broadcast_in_dim3A_771 : vector<400x1xf32> to vector<400x400xf32>
    %gt3A_774 = arith.cmpf ogt, %gt3A_772, %gt3A_773 : vector<400x400xf32>
    %eq3A_775 = vector.broadcast %get3A_753 : vector<1x400xf32> to vector<400x400xf32>
    %eq3A_776 = vector.broadcast %broadcast_in_dim3A_771 : vector<400x1xf32> to vector<400x400xf32>
    %eq3A_777 = arith.cmpf oeq, %eq3A_775, %eq3A_776 : vector<400x400xf32>
    %and3A_778 = arith.andi %eq3A_777, %lt3A : vector<400x400xi1>
    %or3A_779 = arith.ori %gt3A_774, %and3A_778 : vector<400x400xi1>
    %convert_element_type3A_780 = arith.extui %or3A_779 : vector<400x400xi1> to vector<400x400xi32>
    %reduce_sum3A_781 = arith.constant dense<0> : vector<400xi32>
    %reduce_sum3A_782 = vector.multi_reduction <add>, %convert_element_type3A_780, %reduce_sum3A_781 [1] : vector<400x400xi32> to vector<400xi32>
    %broadcast_in_dim3A_783 = vector.shape_cast %reduce_sum3A_782 : vector<400xi32> to vector<400x1xi32>
    %eq3A_784 = vector.broadcast %broadcast_in_dim3A_783 : vector<400x1xi32> to vector<400x400xi32>
    %eq3A_785 = arith.cmpi eq, %eq3A_784, %iota3A : vector<400x400xi32>
    %jit3A_786 = arith.constant 0.000000e+00 : f32
    %broadcast_in_dim3A_787 = vector.shape_cast %broadcast_in_dim3A_771 : vector<400x1xf32> to vector<400x1xf32>
    %broadcast_in_dim3A_788 = vector.broadcast %broadcast_in_dim3A_787 : vector<400x1xf32> to vector<400x400xf32>
    %broadcast_in_dim3A_789 = vector.broadcast %jit3A_786 : f32 to vector<400x400xf32>
    %select_n3A_790 = arith.select %eq3A_785, %broadcast_in_dim3A_788, %broadcast_in_dim3A_789 : vector<400x400xi1>, vector<400x400xf32>
    %reduce_sum3A_791 = arith.constant dense<0.000000e+00> : vector<400xf32>
    %reduce_sum3A_792 = vector.multi_reduction <add>, %select_n3A_790, %reduce_sum3A_791 [0] : vector<400x400xf32> to vector<400xf32>
    %broadcast_in_dim3A_793 = vector.shape_cast %reduce_sum3A_792 : vector<400xf32> to vector<1x400xf32>
    %eq3A_794 = vector.broadcast %get3A_763 : vector<1x400xi32> to vector<400x400xi32>
    %eq3A_795 = arith.cmpi eq, %iota3A_0, %eq3A_794 : vector<400x400xi32>
    %jit3A_796 = arith.constant 0.000000e+00 : f32
    %broadcast_in_dim3A_797 = vector.shape_cast %broadcast_in_dim3A_748 : vector<400x1xf32> to vector<400x1xf32>
    %broadcast_in_dim3A_798 = vector.broadcast %broadcast_in_dim3A_797 : vector<400x1xf32> to vector<400x400xf32>
    %broadcast_in_dim3A_799 = vector.broadcast %jit3A_796 : f32 to vector<400x400xf32>
    %select_n3A_800 = arith.select %eq3A_795, %broadcast_in_dim3A_798, %broadcast_in_dim3A_799 : vector<400x400xi1>, vector<400x400xf32>
    %reduce_sum3A_801 = arith.constant dense<0.000000e+00> : vector<400xf32>
    %reduce_sum3A_802 = vector.multi_reduction <add>, %select_n3A_800, %reduce_sum3A_801 [0] : vector<400x400xf32> to vector<400xf32>
    %broadcast_in_dim3A_803 = vector.shape_cast %reduce_sum3A_802 : vector<400xf32> to vector<1x400xf32>
    %add3A_804 = arith.addf %broadcast_in_dim3A_793, %broadcast_in_dim3A_803 : vector<1x400xf32>
    %mul3A_805 = arith.constant 5.000000e-01 : f32
    %mul3A_806 = vector.broadcast %mul3A_805 : f32 to vector<1x400xf32>
    %mul3A_807 = arith.mulf %add3A_804, %mul3A_806 : vector<1x400xf32>
    %jit3A_808 = arith.constant 0.000000e+00 : f32
    %broadcast_in_dim3A_809 = vector.shape_cast %mul3A_807 : vector<1x400xf32> to vector<1x400xf32>
    %broadcast_in_dim3A_810 = vector.broadcast %broadcast_in_dim3A_809 : vector<1x400xf32> to vector<400x400xf32>
    %broadcast_in_dim3A_811 = vector.broadcast %jit3A_808 : f32 to vector<400x400xf32>
    %select_n3A_812 = arith.select %eq3A, %broadcast_in_dim3A_810, %broadcast_in_dim3A_811 : vector<400x400xi1>, vector<400x400xf32>
    %reduce_sum3A_813 = arith.constant dense<0.000000e+00> : vector<400xf32>
    %reduce_sum3A_814 = vector.multi_reduction <add>, %select_n3A_812, %reduce_sum3A_813 [1] : vector<400x400xf32> to vector<400xf32>
    %broadcast_in_dim3A_815 = vector.shape_cast %reduce_sum3A_814 : vector<400xf32> to vector<400x1xf32>
    %gt3A_816 = vector.broadcast %mul3A_807 : vector<1x400xf32> to vector<400x400xf32>
    %gt3A_817 = vector.broadcast %broadcast_in_dim3A_815 : vector<400x1xf32> to vector<400x400xf32>
    %gt3A_818 = arith.cmpf ogt, %gt3A_816, %gt3A_817 : vector<400x400xf32>
    %eq3A_819 = vector.broadcast %mul3A_807 : vector<1x400xf32> to vector<400x400xf32>
    %eq3A_820 = vector.broadcast %broadcast_in_dim3A_815 : vector<400x1xf32> to vector<400x400xf32>
    %eq3A_821 = arith.cmpf oeq, %eq3A_819, %eq3A_820 : vector<400x400xf32>
    %and3A_822 = arith.andi %eq3A_821, %lt3A : vector<400x400xi1>
    %or3A_823 = arith.ori %gt3A_818, %and3A_822 : vector<400x400xi1>
    %convert_element_type3A_824 = arith.extui %or3A_823 : vector<400x400xi1> to vector<400x400xi32>
    %reduce_sum3A_825 = arith.constant dense<0> : vector<400xi32>
    %reduce_sum3A_826 = vector.multi_reduction <add>, %convert_element_type3A_824, %reduce_sum3A_825 [1] : vector<400x400xi32> to vector<400xi32>
    %broadcast_in_dim3A_827 = vector.shape_cast %reduce_sum3A_826 : vector<400xi32> to vector<400x1xi32>
    %jit3A_828 = arith.constant 0 : i32
    %broadcast_in_dim3A_829 = vector.shape_cast %get3A_758 : vector<1x400xi32> to vector<1x400xi32>
    %broadcast_in_dim3A_830 = vector.broadcast %broadcast_in_dim3A_829 : vector<1x400xi32> to vector<400x400xi32>
    %broadcast_in_dim3A_831 = vector.broadcast %jit3A_828 : i32 to vector<400x400xi32>
    %select_n3A_832 = arith.select %eq3A, %broadcast_in_dim3A_830, %broadcast_in_dim3A_831 : vector<400x400xi1>, vector<400x400xi32>
    %reduce_sum3A_833 = arith.constant dense<0> : vector<400xi32>
    %reduce_sum3A_834 = vector.multi_reduction <add>, %select_n3A_832, %reduce_sum3A_833 [1] : vector<400x400xi32> to vector<400xi32>
    %broadcast_in_dim3A_835 = vector.shape_cast %reduce_sum3A_834 : vector<400xi32> to vector<400x1xi32>
    %eq3A_836 = vector.broadcast %broadcast_in_dim3A_827 : vector<400x1xi32> to vector<400x400xi32>
    %eq3A_837 = arith.cmpi eq, %eq3A_836, %iota3A : vector<400x400xi32>
    %jit3A_838 = arith.constant 0 : i32
    %broadcast_in_dim3A_839 = vector.shape_cast %broadcast_in_dim3A_835 : vector<400x1xi32> to vector<400x1xi32>
    %broadcast_in_dim3A_840 = vector.broadcast %broadcast_in_dim3A_839 : vector<400x1xi32> to vector<400x400xi32>
    %broadcast_in_dim3A_841 = vector.broadcast %jit3A_838 : i32 to vector<400x400xi32>
    %select_n3A_842 = arith.select %eq3A_837, %broadcast_in_dim3A_840, %broadcast_in_dim3A_841 : vector<400x400xi1>, vector<400x400xi32>
    %reduce_sum3A_843 = arith.constant dense<0> : vector<400xi32>
    %reduce_sum3A_844 = vector.multi_reduction <add>, %select_n3A_842, %reduce_sum3A_843 [0] : vector<400x400xi32> to vector<400xi32>
    %broadcast_in_dim3A_845 = vector.shape_cast %reduce_sum3A_844 : vector<400xi32> to vector<1x400xi32>
    %swap3A_846 = arith.constant 3 : index
    %swap3A_847 = arith.constant 0 : index
    %swap3A_848 = arith.constant 0 : index
    %swap3A_849 = vector.load %arg6[%swap3A_846, %swap3A_847, %swap3A_848] : memref<4x1x400xi32, #tpu.memory_space<vmem>>, vector<1x1x400xi32>
    %swap3A_850 = vector.shape_cast %swap3A_849 : vector<1x1x400xi32> to vector<1x400xi32>
    %swap3A_851 = vector.shape_cast %broadcast_in_dim3A_845 : vector<1x400xi32> to vector<1x1x400xi32>
    tpu.vector_store %arg6[%swap3A_846, %swap3A_847, %swap3A_848], %swap3A_851 {strides = array<i32>} : memref<4x1x400xi32, #tpu.memory_space<vmem>>, vector<1x1x400xi32>,
    return
  }
  func.func @transform_0(%arg0: i32) -> (i32, i32, i32) {
    %c0_i32 = arith.constant 0 : i32
    %c0_i32_0 = arith.constant 0 : i32
    %c0_i32_1 = arith.constant 0 : i32
    return %arg0, %c0_i32, %c0_i32_0 : i32, i32, i32
  }
  func.func @transform_1(%arg0: i32) -> (i32, i32, i32) {
    %c0_i32 = arith.constant 0 : i32
    %c0_i32_0 = arith.constant 0 : i32
    %c0_i32_1 = arith.constant 0 : i32
    return %arg0, %c0_i32, %c0_i32_0 : i32, i32, i32
  }
  func.func @transform_2(%arg0: i32) -> (i32, i32, i32) {
    %c0_i32 = arith.constant 0 : i32
    %c0_i32_0 = arith.constant 0 : i32
    %c0_i32_1 = arith.constant 0 : i32
    return %arg0, %c0_i32, %c0_i32_0 : i32, i32, i32
  }
  func.func @transform_3(%arg0: i32) -> (i32, i32, i32) {
    %c0_i32 = arith.constant 0 : i32
    %c0_i32_0 = arith.constant 0 : i32
    %c0_i32_1 = arith.constant 0 : i32
    return %arg0, %c0_i32, %c0_i32_0 : i32, i32, i32
  }
  func.func @transform_4(%arg0: i32) -> (i32, i32, i32) {
    %c0_i32 = arith.constant 0 : i32
    %c0_i32_0 = arith.constant 0 : i32
    %c0_i32_1 = arith.constant 0 : i32
    return %arg0, %c0_i32, %c0_i32_0 : i32, i32, i32
  }
  func.func @transform_5(%arg0: i32) -> (i32, i32, i32) {
    %c0_i32 = arith.constant 0 : i32
    %c0_i32_0 = arith.constant 0 : i32
    %c0_i32_1 = arith.constant 0 : i32
    return %arg0, %c0_i32, %c0_i32_0 : i32, i32, i32
  }
}

module attributes {stable_mosaic.version = 14 : i64} {
  func.func @_assemble_body(%arg0: i32, %arg1: memref<128x400xi32, #tpu.memory_space<vmem>>, %arg2: memref<50000x128xi32, #tpu.memory_space<any>>, %arg3: memref<400x128xi32, #tpu.memory_space<vmem>>) attributes {dimension_semantics = [#tpu.dimension_semantics<arbitrary>], iteration_bounds = array<i64: 1>, scalar_prefetch = 0 : i64, scratch_operands = 0 : i64, tpu.core_type = #tpu.core_type<tc>, window_params = [{pipeline_mode = #tpu.pipeline_mode<synchronous>, transform_indices = @transform_0, window_bounds = array<i64: 128, 400>}, {}, {transform_indices = @transform_2, window_bounds = array<i64: 400, 128>}]} {
    %get3A = arith.constant 0 : index
    %get3A_0 = arith.constant 0 : index
    %get3A_1 = vector.load %arg1[%get3A, %get3A_0] : memref<128x400xi32, #tpu.memory_space<vmem>>, vector<128x400xi32>
    %transpose3A = tpu.transpose %get3A_1, [1, 0] : vector<128x400xi32> -> vector<400x128xi32>
    %swap3A = arith.constant 0 : index
    %swap3A_2 = arith.constant 0 : index
    %swap3A_3 = vector.load %arg3[%swap3A, %swap3A_2] : memref<400x128xi32, #tpu.memory_space<vmem>>, vector<400x128xi32>
    tpu.vector_store %arg3[%swap3A, %swap3A_2], %transpose3A {strides = array<i32>} : memref<400x128xi32, #tpu.memory_space<vmem>>, vector<400x128xi32>,
    return
  }
  func.func @transform_0(%arg0: i32) -> (i32, i32) {
    %c0_i32 = arith.constant 0 : i32
    %c0_i32_0 = arith.constant 0 : i32
    %c0_i32_1 = arith.constant 0 : i32
    return %c0_i32, %c0_i32_0 : i32, i32
  }
  func.func @transform_2(%arg0: i32) -> (i32, i32) {
    %c0_i32 = arith.constant 0 : i32
    %c0_i32_0 = arith.constant 0 : i32
    %c0_i32_1 = arith.constant 0 : i32
    return %c0_i32, %c0_i32_0 : i32, i32
  }
}

</mosaic_0001>

<sc_bundles>
// kernel: kernel.5.cloned.1.call-start
scs
__scs_entry_jumppad:
0x0: {  	(pc) =	sbr.rel $0x88, $3  }
0x1: {  	(tag) =	ssettag $0x0;
	lr =	simm.s32 $0x1  }
0x2: {  	[smem:$0x3F9C] =	sst lr;
	_ =	strace $0xD0000000  }
0x3: {  	_ = 	snop  }
0x4: {  	_ = 	snop  }
0x5: {  	_ = 	snop  }
0x6: {  	_ = 	snop  }
0x7: {  	_ = 	snop  }
__scs_overlays_trampoline_lowered:
0x8: {  	[smem:$0x3FAB] =	sst s0  }
0x9: {  	[smem:$0x3FAC] =	sst s1  }
0xa: {  	[smem:$0x3FAD] =	sst s2  }
0xb: {  	[smem:$0x3FAE] =	sst s3  }
0xc: {  	[smem:$0x3FAF] =	sst s4  }
0xd: {  	[smem:$0x3FB0] =	sst s5  }
0xe: {  	[smem:$0x3FB1] =	sst s6  }
0xf: {  	[smem:$0x3FB2] =	sst s7  }
0x10: {  	[smem:$0x3FB3] =	sst s8  }
0x11: {  	[smem:$0x3FB4] =	sst s9;
	s0 =	simm.s32 @!p0 $0x0  }
0x12: {  	s1 =	sld [smem:$0x3F9A];
	s0 =	simm.s32 @p0 $0x1  }
0x13: {  	[smem:$0x3FB5] =	sst s0;
	s0 =	simm.s32 @!p1 $0x0  }
0x14: {  	s2 =	sld [smem:$0x3F99];
	s0 =	simm.s32 @p1 $0x1  }
0x15: {  	[smem:$0x3FB6] =	sst s0;
	s0 =	simm.s32 @!p2 $0x0  }
0x16: {  	s3 =	sld [smem:$0x3FDB];
	s0 =	simm.s32 @p2 $0x1  }
0x17: {  	s4 =	simm.s32 $0x1BF5;
	[smem:$0x3FB8] =	sst s0  }
0x18: {  	s0 =	sld [smem:$0x3F9B];
	_ =	swait.ge [sflag:s4], $0x0  }
0x19: {  	s7 =	sld [smem:$0x3F9C]  }
0x1a: {  	s8 =	sadd.s32 $0xFFFFE003, lr  }
0x1b: {  	s9 =	sadd.s32 $0xFFFFFEF7, lr;
	s5 =	simm.s32 $0xFFFFFFFF;
	p2 =	slt.u32 s8, $0xFFFFF086  }
0x1c: {  	p1 =	slt.u32 s9, $0xF7A;
	s5 =	simm.s32 @!p2 $0x0  }
0x1d: {  	s5 =	simm.s32 @p1 $0x1;
	p0 =	seq.s32 s7, s2  }
0x1e: {  	s7 =	smul.u32 @!p0 $0xF7A, s2;
	p2 =	seq.s32 @!p0 s5, $0x0  }
0x1f: {  	s9 =	smul.u32 $0xF7A, s1;
	s8 =	simm.s32 @!p0 $0x1BF5;
	p2 =	por !p2, p0  }
0x20: {  	[sflag:s8] =	ssyncset.s32 @!p0 $0xFFFFF086;
	s6 =	sadd.s32 @!p0 s3, s7;
	s7 =	simm.s32 @!p0 $0x108  }
0x21: {  	s3 =	sadd.s32 s3, s9;
	s6 =	sadd.s32 @!p0 $0x88, s6;
	s7 =	simm.s32 @p2 $0x1082  }
0x22: {  	[simem:s7], [sflag:s8] =	dma.local @!p0 [hbm:s6], $0xF7A  }
0x23: {  	s9 =	sor.u32 $0xD0000000, s2;
	s6 =	simm.s32 $0x108;
	_ =	swait.ge @!p0 [sflag:s8], $0x0  }
0x24: {  	s3 =	sadd.s32 $0x88, s3;
	s6 =	simm.s32 @!p1 $0x1082;
	[sflag:s4] =	ssyncset.s32 $0xFFFFF086  }
0x25: {  	[simem:s6], [sflag:s4] =	dma.local [hbm:s3], $0xF7A  }
0x26: {  	[smem:$0x3F9C] =	sst s1;
	(tag) =	ssettag s2;
	_ =	strace s9  }
0x27: {  	s1 =	sld [smem:$0x3FAC]  }
0x28: {  	s2 =	sld [smem:$0x3FAD]  }
0x29: {  	s4 =	sld [smem:$0x3FAF]  }
0x2a: {  	p0 =	seq.s32 s5, $0x0;
	s5 =	sld [smem:$0x3FB0]  }
0x2b: {  	s6 =	sld [smem:$0x3FB1]  }
0x2c: {  	s7 =	sld [smem:$0x3FB2]  }
0x2d: {  	s3 =	simm.s32 $0x108;
	s8 =	sld [smem:$0x3FB3]  }
0x2e: {  	s3 =	simm.s32 @!p0 $0x1082;
	s9 =	sld [smem:$0x3FB4]  }
0x2f: {  	lr =	sadd.s32 s0, s3;
	s0 =	sld [smem:$0x3FAB]  }
0x30: {  	s3 =	sld [smem:$0x3FAE]  }
0x31: {  	[smem:$0x3FB7] =	sst s10  }
0x32: {  	s10 =	sld [smem:$0x3FB5];
	_ =	sdelay $0x3  }
0x33: {  	p0 =	seq.s32 s10, $0x1;
	s10 =	sld [smem:$0x3FB7];
	_ =	sdelay $0x3  }
0x34: {  	[smem:$0x3FB7] =	sst s10  }
0x35: {  	s10 =	sld [smem:$0x3FB6];
	_ =	sdelay $0x3  }
0x36: {  	p1 =	seq.s32 s10, $0x1;
	s10 =	sld [smem:$0x3FB7];
	_ =	sdelay $0x3  }
0x37: {  	[smem:$0x3FB7] =	sst s10  }
0x38: {  	s10 =	sld [smem:$0x3FB8]  }
0x39: {  	_ = 	snop;
	(pc) =	sbr.ind lr, $3  }
0x3a: {  	_ = 	snop  }
0x3b: {  	_ = 	snop  }
0x3c: {  	p2 =	seq.s32 s10, $0x1;
	s10 =	sld [smem:$0x3FB7]  }
0x3d: {  	_ =	shalt  }
0x3e: {  	_ =	shalt  }
0x3f: {  	_ =	shalt  }
0x40: {  	_ =	shalt  }
0x41: {  	_ =	shalt  }
0x42: {  	_ =	shalt  }
0x43: {  	_ =	shalt  }
0x44: {  	_ =	shalt  }
0x45: {  	_ =	shalt  }
0x46: {  	_ =	shalt  }
0x47: {  	_ =	shalt  }
0x48: {  	_ =	shalt  }
0x49: {  	_ =	shalt  }
0x4a: {  	_ =	shalt  }
0x4b: {  	_ =	shalt  }
0x4c: {  	_ =	shalt  }
0x4d: {  	_ =	shalt  }
0x4e: {  	_ =	shalt  }
0x4f: {  	_ =	shalt  }
0x50: {  	_ =	shalt  }
0x51: {  	_ =	shalt  }
0x52: {  	_ =	shalt  }
0x53: {  	_ =	shalt  }
0x54: {  	_ =	shalt  }
0x55: {  	_ =	shalt  }
0x56: {  	_ =	shalt  }
0x57: {  	_ =	shalt  }
0x58: {  	_ =	shalt  }
0x59: {  	_ =	shalt  }
0x5a: {  	_ =	shalt  }
0x5b: {  	_ =	shalt  }
0x5c: {  	_ =	shalt  }
0x5d: {  	_ =	shalt  }
0x5e: {  	_ =	shalt  }
0x5f: {  	_ =	shalt  }
0x60: {  	_ =	shalt  }
0x61: {  	_ =	shalt  }
0x62: {  	_ =	shalt  }
0x63: {  	_ =	shalt  }
0x64: {  	_ =	shalt  }
0x65: {  	_ =	shalt  }
0x66: {  	_ =	shalt  }
0x67: {  	_ =	shalt  }
0x68: {  	_ =	shalt  }
0x69: {  	_ =	shalt  }
0x6a: {  	_ =	shalt  }
0x6b: {  	_ =	shalt  }
0x6c: {  	_ =	shalt  }
0x6d: {  	_ =	shalt  }
0x6e: {  	_ =	shalt  }
0x6f: {  	_ =	shalt  }
0x70: {  	_ =	shalt  }
0x71: {  	_ =	shalt  }
0x72: {  	_ =	shalt  }
0x73: {  	_ =	shalt  }
0x74: {  	_ =	shalt  }
0x75: {  	_ =	shalt  }
0x76: {  	_ =	shalt  }
0x77: {  	_ =	shalt  }
0x78: {  	_ =	shalt  }
0x79: {  	_ =	shalt  }
0x7a: {  	_ =	shalt  }
0x7b: {  	_ =	shalt  }
0x7c: {  	_ =	shalt  }
0x7d: {  	_ =	shalt  }
0x7e: {  	_ =	shalt  }
0x7f: {  	_ =	shalt  }
0x80: {  	_ =	shalt  }
0x81: {  	_ =	shalt  }
0x82: {  	_ =	shalt  }
0x83: {  	_ =	shalt  }
0x84: {  	_ =	shalt  }
0x85: {  	_ =	shalt  }
0x86: {  	_ =	shalt  }
0x87: {  	_ =	shalt  }
.Lfunc_end0:
.L_simem_size_0:
called_computation_lowered:
.L_overlay_start_0:
0x88: {  	s2 =	sld [smem:$0x3FD9]  }
0x89: {  	s3 =	sld [smem:$0x3FFE];
	_ =	sdelay $0x1  }
0x8a: {  	s1 =	srdreg.scid  }
0x8b: {  	s0 =	sand.u32 $0x1, s1  }
0x8c: {  	s18 =	sshll.u32 s0, $0xA;
	s2 =	sadd.s32 s3, s2  }
0x8d: {  	s2 =	sadd.s32 s2, s18  }
0x8e: {  	[smem:$0x3FC3] =	sst s2  }
0x8f: {  	_ = 	snop  }
0x90: {  	s2 =	sld [smem:$0x3FC9]  }
0x91: {  	s19 =	sld [smem:$0x3FD0];
	(tm) =	ssettm $0x1  }
0x92: {  	s4 =	sld [smem:$0x3FFB];
	_ =	sdelay $0x3  }
0x93: {  	_ =	strace s4  }
0x94: {  	s4 =	sld [smem:$0x3FFC];
	_ =	sdelay $0x3  }
0x95: {  	_ =	strace s4  }
0x96: {  	s4 =	sld [smem:$0x3FFD];
	_ =	sdelay $0x3  }
0x97: {  	_ =	strace s4  }
0x98: {  	_ =	strace $0x8FFFFFFF  }
0x99: {  	s20 =	sld [smem:$0x3FDB];
	_ =	sdelay $0x1  }
0x9a: {  	s5 =	simm.s32 $_scs_section_size  }
0x9b: {  	s6 =	simm.s32 $_size__tile_overlayer_lowered;
	s7 =	simm.s32 $_tile_overlayer_lowered  }
0x9c: {  	s23 =	simm.s32 $0x1BFF;
	s22 =	sshll.u32 s7, $0x1;
	s4 =	sadd.s32 s5, s20  }
0x9d: {  	s8 =	simm.s32 $0x0;
	s21 =	sshll.u32 s6, $0x1;
	s6 =	sadd.s32 s22, s4  }
0x9e: {  	[timem:s8], [sflag:s23] =	dma.local [hbm:s6], s21  }
0x9f: {  	_ =	swait.ge [sflag:s23], s21  }
0xa0: {  	s5 =	ssub.s32 $0x0, s21;
	[sflag:s23] =	ssyncset.done $0x0  }
0xa1: {  	[sflag:s23] =	ssyncadd.s32 s5;
	_ =	sdelay $0x1  }
0xa2: {  	s24 =	simm.s32 $0x1B8B  }
0xa3: {  	_ =	swait.ge [sflag:s24], $0x1  }
0xa4: {  	[sflag:s24] =	ssyncset.done $0x0  }
0xa5: {  	s25 =	simm.s32 $0x1B8E;
	[sflag:s24] =	ssyncadd.s32 $0xFFFFFFFF  }
0xa6: {  	s26 =	simm.s32 $execute0_lowered;
	[smem:$0x3FD2] =	sst s25  }
0xa7: {  	s5 =	sshll.u32 s26, $0x1;
	_ =	strace $0x80000046;
	[dreg:$0x1] =	wrdreg $0xFFFFFFFF  }
0xa8: {  	s28 =	simm.s32 $_size_execute0_lowered;
	s4 =	sadd.s32 s4, s5;
	[dreg:$0x0] =	wrdreg $0x0  }
0xa9: {  	s5 =	sshll.u32 s28, $0x1;
	[dreg:$0x2] =	wrdreg s4  }
0xaa: {  	[dreg:$0x3] =	wrdreg s5  }
0xab: {  	[dreg:$0x4] =	wrdreg $0xC0  }
0xac: {  	_ =	task [dreg:s8], $0x5FFFF  }
0xad: {  	[dreg:$0x1] =	wrdreg $0xFFFFFFFF  }
0xae: {  	[dreg:$0x0] =	wrdreg $0x60  }
0xaf: {  	[dreg:$0x2] =	wrdreg s2  }
0xb0: {  	[dreg:$0x3] =	wrdreg s19  }
0xb1: {  	[dreg:$0x4] =	wrdreg $0x9  }
0xb2: {  	_ =	task.clear_ibuf [dreg:s8], $0x5FFFF;
	_ =	strace $0x90000046  }
0xb3: {  	s29 =	simm.s32 $0x9;
	_ =	strace $0x80000048  }
0xb4: {  	_ =	swait.ge [sflag:s29], $0x1  }
0xb5: {  	[sflag:s29] =	ssyncadd.s32 $0xFFFFFFFF  }
0xb6: {  	_ =	strace $0x90000048  }
0xb7: {  	_ =	sfence  }
0xb8: {  	s30 =	sld [smem:$0x0];
	_ =	sdelay $0x2  }
0xb9: {  	s31 =	sshll.u32 s1, $0xD;
	s1 =	sshrl.u32 s1, $0x2  }
0xba: {  	s3 =	sand.u32 $0x4000, s31;
	s1 =	sadd.s32 s1, s30  }
0xbb: {  	s0 =	sor.u32 s3, s0;
	s1 =	sshll.u32 s1, $0x11  }
0xbc: {  	s0 =	sor.u32 s1, s0  }
0xbd: {  	s0 =	sadd.s32 $0x8F2B, s0  }
0xbe: {  	[sflag:s0] =	ssyncadd.remote.s32 $0x1  }
0xbf: {  	_ =	sfence.sel $0xFFFF  }
0xc0: {  	[dreg:$0x0] =	wrdreg $0xFFFFFFFF;
	(pc) =	sbr.abs _section_cstart, $3  }
0xc1: {  	[dreg:$0x1] =	wrdreg $0xFFFFFFFF  }
0xc2: {  	_ =	task.clear_ibuf [dreg:s8], $0x2FFFF;
	_ =	strace $0x9FFFFFFF  }
0xc3: {  	(tm) =	ssettm $0x7FFFFFFF  }
tec
execute0_lowered:
.L_overlay_start_1:
0x0: {  	(tag) =	ssettag $0x1  }
0x1: {  	s1 =	srdreg.scid;
	s0 =	stileid.u32  }
0x2: {  	s2 =	sand.u32 $0x1, s1;
	s30 =	sshll.u32 s0, $0x1  }
0x3: {  	s11 =	sor.u32 s2, s30;
	s2 =	ssub.s32 $0x2, s2  }
0x4: {  	s5 =	sshrl.u32 s2, $0x1  }
0x5: {  	s6 =	rddreg [dreg:$0x0];
	s2 =	ssub.s32 s2, s5  }
0x6: {  	s10 =	rddreg [dreg:$0x1];
	s3 =	simm.s32 $0x0;
	s8 =	smax.u32 s2, $0x1  }
0x7: {  	p1 =	por $0x0, $0x0;
	s4 =	smul.u32 $0x6100, s11;
	s14 =	sadd.s32 $0xFFFFFFFF, s8  }
0x8: {  	s1 =	rddreg [dreg:$0x2];
	s31 =	smul.u32 $0x30800, s11;
	p2 =	sne.s32 s14, $0x0  }
.Ltmp0:
0x9: {  	[smem:$0x7FF] =	sst s3;
	s9 =	sadd.s32 $0xBD800, s6;
	(pc) =	sbr.rel @!p2 .LBB2_3-.Ltmp0, $4  }
0xa: {  	_ =	strace $0x80000047;
	s4 =	sadd.s32 $0x1900, s4;
	s3 =	sshrl.u32 s31, $0x3  }
0xb: {  	p0 =	seq.s32 s11, $0x1F;
	s5 =	sadd.s32 s6, s4;
	s7 =	sadd.s32 $0x4980, s3  }
0xc: {  	s4 =	sadd.s32 s10, s4;
	s8 =	sadd.s32 $0xBD800, s10;
	s3 =	sadd.s32 s6, s7  }
0xd: {  	s2 =	sadd.s32 s10, s7;
	s7 =	sadd.s32 $0xC0680, s6;
	s6 =	sadd.s32 $0xC0680, s10  }
0xe: {  	s10 =	simm.s32 @p0 $0x0;
	s11 =	simm.s32 @p0 $0x1  }
0xf: {  	[tilespmem:s10], [sflag:$0x1] =	stream.linear.gather @p0 [hbm4b:s9+s10], $0x17400, $0x38;
	[tilespmem:$0x18400] =	vst v63  }
0x10: {  	_ =	swait.ge @p0 [sflag:s11], $0x17400  }
0x11: {  	[sflag:s11] =	ssyncset.done @p0 $0x0  }
0x12: {  	[sflag:s11] =	ssyncadd.s32 @p0 $0xFFFE8C00  }
0x13: {  	[hbm4b:s8+s10] =	stream.linear.scatter @p0 [tilespmem:s10], [sflag:$0x1], $0x17400, $0x38;
	[tilespmem:$0x18400] =	vst v63  }
0x14: {  	_ =	swait.ge @p0 [sflag:s11], $0x17400  }
0x15: {  	[sflag:s11] =	ssyncset.done @p0 $0x0  }
0x16: {  	[sflag:s11] =	ssyncadd.s32 @p0 $0xFFFE8C00  }
0x17: {  	[tilespmem:s10], [sflag:$0x1] =	stream.linear.gather @p0 [hbm4b:s7+s10], $0x17400, $0x38;
	[tilespmem:$0x18400] =	vst v63  }
0x18: {  	_ =	swait.ge @p0 [sflag:s11], $0x17400  }
0x19: {  	[sflag:s11] =	ssyncset.done @p0 $0x0  }
0x1a: {  	[sflag:s11] =	ssyncadd.s32 @p0 $0xFFFE8C00  }
0x1b: {  	[hbm4b:s6+s10] =	stream.linear.scatter @p0 [tilespmem:s10], [sflag:$0x1], $0x17400, $0x38;
	[tilespmem:$0x18400] =	vst v63  }
0x1c: {  	_ =	swait.ge @p0 [sflag:s11], $0x17400  }
0x1d: {  	[sflag:s11] =	ssyncset.done @p0 $0x0  }
0x1e: {  	s13 =	simm.s32 @!p0 $0x0;
	s12 =	simm.s32 @!p0 $0x1;
	[sflag:s11] =	ssyncadd.s32 @p0 $0xFFFE8C00  }
0x1f: {  	[tilespmem:s13], [sflag:$0x1] =	stream.linear.gather @!p0 [hbm4b:s5+s13], $0x18400, $0x38;
	[tilespmem:$0x18400] =	vst v63  }
0x20: {  	_ =	swait.ge @!p0 [sflag:s12], $0x18400  }
0x21: {  	[sflag:s12] =	ssyncset.done @!p0 $0x0  }
0x22: {  	[sflag:s12] =	ssyncadd.s32 @!p0 $0xFFFE7C00  }
0x23: {  	[hbm4b:s4+s13] =	stream.linear.scatter @!p0 [tilespmem:s13], [sflag:$0x1], $0x18400, $0x38;
	[tilespmem:$0x18400] =	vst v63  }
0x24: {  	_ =	swait.ge @!p0 [sflag:s12], $0x18400  }
0x25: {  	[sflag:s12] =	ssyncset.done @!p0 $0x0  }
0x26: {  	s14 =	sadd.s32 $0xFFFFFFFF, s14;
	[sflag:s12] =	ssyncadd.s32 @!p0 $0xFFFE7C00  }
0x27: {  	[tilespmem:s13], [sflag:$0x1] =	stream.linear.gather @!p0 [hbm4b:s3+s13], $0x18400, $0x38;
	[tilespmem:$0x18400] =	vst v63  }
0x28: {  	p2 =	sne.s32 s14, $0x0;
	_ =	swait.ge @!p0 [sflag:s12], $0x18400  }
.Ltmp1:
0x29: {  	[sflag:s12] =	ssyncset.done @!p0 $0x0;
	(pc) =	sbr.rel @!p2 .LBB2_3-.Ltmp1, $4  }
0x2a: {  	[sflag:s12] =	ssyncadd.s32 @!p0 $0xFFFE7C00  }
0x2b: {  	[hbm4b:s2+s13] =	stream.linear.scatter @!p0 [tilespmem:s13], [sflag:$0x1], $0x18400, $0x38;
	[tilespmem:$0x18400] =	vst v63  }
0x2c: {  	_ =	swait.ge @!p0 [sflag:s12], $0x18400  }
0x2d: {  	p1 =	por $0x1, $0x1;
	[sflag:s12] =	ssyncset.done @!p0 $0x0  }
.LBB2_2:
0x2e: {  	[sflag:s12] =	ssyncadd.s32 @!p0 $0xFFFE7C00  }
0x2f: {  	[tilespmem:s10], [sflag:$0x1] =	stream.linear.gather @p0 [hbm4b:s9+s10], $0x17400, $0x38;
	[tilespmem:$0x18400] =	vst v63  }
0x30: {  	s14 =	sadd.s32 $0xFFFFFFFF, s14;
	_ =	swait.ge @p0 [sflag:s11], $0x17400  }
0x31: {  	p2 =	sne.s32 s14, $0x0;
	[sflag:s11] =	ssyncset.done @p0 $0x0  }
0x32: {  	[sflag:s11] =	ssyncadd.s32 @p0 $0xFFFE8C00  }
0x33: {  	[hbm4b:s8+s10] =	stream.linear.scatter @p0 [tilespmem:s10], [sflag:$0x1], $0x17400, $0x38;
	[tilespmem:$0x18400] =	vst v63  }
0x34: {  	_ =	swait.ge @p0 [sflag:s11], $0x17400  }
0x35: {  	[sflag:s11] =	ssyncset.done @p0 $0x0  }
0x36: {  	[sflag:s11] =	ssyncadd.s32 @p0 $0xFFFE8C00  }
0x37: {  	[tilespmem:s10], [sflag:$0x1] =	stream.linear.gather @p0 [hbm4b:s7+s10], $0x17400, $0x38;
	[tilespmem:$0x18400] =	vst v63  }
0x38: {  	_ =	swait.ge @p0 [sflag:s11], $0x17400  }
0x39: {  	[sflag:s11] =	ssyncset.done @p0 $0x0  }
0x3a: {  	[sflag:s11] =	ssyncadd.s32 @p0 $0xFFFE8C00  }
0x3b: {  	[hbm4b:s6+s10] =	stream.linear.scatter @p0 [tilespmem:s10], [sflag:$0x1], $0x17400, $0x38;
	[tilespmem:$0x18400] =	vst v63  }
0x3c: {  	_ =	swait.ge @p0 [sflag:s11], $0x17400  }
0x3d: {  	[sflag:s11] =	ssyncset.done @p0 $0x0  }
0x3e: {  	[sflag:s11] =	ssyncadd.s32 @p0 $0xFFFE8C00  }
0x3f: {  	[tilespmem:s13], [sflag:$0x1] =	stream.linear.gather @!p0 [hbm4b:s5+s13], $0x18400, $0x38;
	[tilespmem:$0x18400] =	vst v63  }
0x40: {  	_ =	swait.ge @!p0 [sflag:s12], $0x18400  }
0x41: {  	[sflag:s12] =	ssyncset.done @!p0 $0x0  }
0x42: {  	[sflag:s12] =	ssyncadd.s32 @!p0 $0xFFFE7C00  }
0x43: {  	[hbm4b:s4+s13] =	stream.linear.scatter @!p0 [tilespmem:s13], [sflag:$0x1], $0x18400, $0x38;
	[tilespmem:$0x18400] =	vst v63  }
0x44: {  	_ =	swait.ge @!p0 [sflag:s12], $0x18400  }
0x45: {  	[sflag:s12] =	ssyncset.done @!p0 $0x0  }
0x46: {  	[sflag:s12] =	ssyncadd.s32 @!p0 $0xFFFE7C00  }
0x47: {  	[tilespmem:s13], [sflag:$0x1] =	stream.linear.gather @!p0 [hbm4b:s3+s13], $0x18400, $0x38;
	[tilespmem:$0x18400] =	vst v63  }
0x48: {  	_ =	swait.ge @!p0 [sflag:s12], $0x18400  }
.Ltmp2:
0x49: {  	[sflag:s12] =	ssyncset.done @!p0 $0x0;
	(pc) =	sbr.rel @p2 .LBB2_2-.Ltmp2, $4  }
0x4a: {  	[sflag:s12] =	ssyncadd.s32 @!p0 $0xFFFE7C00  }
0x4b: {  	[hbm4b:s2+s13] =	stream.linear.scatter @!p0 [tilespmem:s13], [sflag:$0x1], $0x18400, $0x38;
	[tilespmem:$0x18400] =	vst v63  }
0x4c: {  	_ =	swait.ge @!p0 [sflag:s12], $0x18400  }
0x4d: {  	[sflag:s12] =	ssyncset.done @!p0 $0x0  }
.LBB2_3:
0x4e: {  	p1 =	por p0, !p1  }
0x4f: {  	s10 =	simm.s32 @p0 $0x0;
	s11 =	simm.s32 @p0 $0x1;
	[sflag:s12] =	ssyncadd.s32 @!p1 $0xFFFE7C00  }
0x50: {  	[tilespmem:s10], [sflag:$0x1] =	stream.linear.gather @p0 [hbm4b:s9+s10], $0x17400, $0x38;
	[tilespmem:$0x18400] =	vst v63  }
0x51: {  	_ =	swait.ge @p0 [sflag:s11], $0x17400  }
0x52: {  	[sflag:s11] =	ssyncset.done @p0 $0x0  }
0x53: {  	[sflag:s11] =	ssyncadd.s32 @p0 $0xFFFE8C00  }
0x54: {  	[hbm4b:s8+s10] =	stream.linear.scatter @p0 [tilespmem:s10], [sflag:$0x1], $0x17400, $0x38;
	[tilespmem:$0x18400] =	vst v63  }
0x55: {  	_ =	swait.ge @p0 [sflag:s11], $0x17400  }
0x56: {  	[sflag:s11] =	ssyncset.done @p0 $0x0  }
0x57: {  	[sflag:s11] =	ssyncadd.s32 @p0 $0xFFFE8C00  }
0x58: {  	[tilespmem:s10], [sflag:$0x1] =	stream.linear.gather @p0 [hbm4b:s7+s10], $0x17400, $0x38;
	[tilespmem:$0x18400] =	vst v63  }
0x59: {  	_ =	swait.ge @p0 [sflag:s11], $0x17400  }
0x5a: {  	[sflag:s11] =	ssyncset.done @p0 $0x0  }
0x5b: {  	[sflag:s11] =	ssyncadd.s32 @p0 $0xFFFE8C00  }
0x5c: {  	[hbm4b:s6+s10] =	stream.linear.scatter @p0 [tilespmem:s10], [sflag:$0x1], $0x17400, $0x38;
	[tilespmem:$0x18400] =	vst v63  }
0x5d: {  	_ =	swait.ge @p0 [sflag:s11], $0x17400  }
0x5e: {  	[sflag:s11] =	ssyncset.done @p0 $0x0  }
0x5f: {  	s7 =	simm.s32 @!p0 $0x1;
	s6 =	simm.s32 @!p0 $0x0;
	[sflag:s11] =	ssyncadd.s32 @p0 $0xFFFE8C00  }
0x60: {  	[tilespmem:s6], [sflag:$0x1] =	stream.linear.gather @!p0 [hbm4b:s5+s6], $0x18400, $0x38;
	[tilespmem:$0x18400] =	vst v63  }
0x61: {  	_ =	swait.ge @!p0 [sflag:s7], $0x18400  }
0x62: {  	[sflag:s7] =	ssyncset.done @!p0 $0x0  }
0x63: {  	[sflag:s7] =	ssyncadd.s32 @!p0 $0xFFFE7C00  }
0x64: {  	[hbm4b:s4+s6] =	stream.linear.scatter @!p0 [tilespmem:s6], [sflag:$0x1], $0x18400, $0x38;
	[tilespmem:$0x18400] =	vst v63  }
0x65: {  	_ =	swait.ge @!p0 [sflag:s7], $0x18400  }
0x66: {  	[sflag:s7] =	ssyncset.done @!p0 $0x0  }
0x67: {  	[sflag:s7] =	ssyncadd.s32 @!p0 $0xFFFE7C00  }
0x68: {  	[tilespmem:s6], [sflag:$0x1] =	stream.linear.gather @!p0 [hbm4b:s3+s6], $0x18400, $0x38;
	[tilespmem:$0x18400] =	vst v63  }
0x69: {  	_ =	swait.ge @!p0 [sflag:s7], $0x18400  }
0x6a: {  	[sflag:s7] =	ssyncset.done @!p0 $0x0  }
0x6b: {  	[sflag:s7] =	ssyncadd.s32 @!p0 $0xFFFE7C00  }
0x6c: {  	[hbm4b:s2+s6] =	stream.linear.scatter @!p0 [tilespmem:s6], [sflag:$0x1], $0x18400, $0x38;
	[tilespmem:$0x18400] =	vst v63  }
0x6d: {  	_ =	swait.ge @!p0 [sflag:s7], $0x18400  }
0x6e: {  	[sflag:s7] =	ssyncset.done @!p0 $0x0  }
0x6f: {  	[sflag:s7] =	ssyncadd.s32 @!p0 $0xFFFE7C00  }
0x70: {  	_ =	sfence.sel $0x180000  }
0x71: {  	[bflag:$0x0] =	sbarrier.arrive $0xFFFF  }
0x72: {  	p0 =	sne.s32 s0, $0x0;
	_ =	strace $0x90000047  }
0x73: {  	s0 =	sadd.s32 @!p0 $0x100000, s1;
	[bflag:$0x2] =	sbarrier.arrive $0xFFFF  }
0x74: {  	[sflag:s0] =	ssyncadd.tile.s32 @!p0 $0x1;
	_ =	shalt  }
.Lfunc_end2:
_tile_overlayer_lowered:
.L_overlay_start_2:
0x75: {  	(tag) =	ssettag $0x2  }
0x76: {  	s0 =	rddreg [dreg:$0x0];
	s2 =	stileid.u32  }
0x77: {  	s1 =	rddreg [dreg:$0x1];
	p0 =	sne.s32 s2, $0x0  }
0x78: {  	s3 =	rddreg [dreg:$0x2];
	[bflag:$0x3] =	sbarrier.arrive $0xFFFF;
	s2 =	simm.s32 @!p0 $0x1C01  }
0x79: {  	[timem:s3], [sflag:s2] =	dma.local @!p0 [hbm:s0], s1  }
0x7a: {  	s0 =	simm.s32 @!p0 $0x1  }
0x7b: {  	_ =	swait.ge @!p0 [sflag:s0], s1  }
0x7c: {  	s1 =	ssub.s32 @!p0 $0x0, s1;
	[sflag:s0] =	ssyncset.done @!p0 $0x0  }
0x7d: {  	[sflag:s0] =	ssyncadd.s32 @!p0 s1  }
0x7e: {  	[bflag:$0x3] =	sbarrier.arrive $0xFFFF  }
0x7f: {  	_ =	shalt  }

</sc_bundles>
